<compile_context>
chip_gen: v7x
topology: tpu7x:2x2x1
jax: 0.10.2.dev20260603
libtpu: 0.0.44.dev20260713+nightly
codegen_flags: <defaults>
</compile_context>

<pallas_src>
import jax
import jax.numpy as jnp
import numpy as np
from jax.experimental import pallas as pl

_RB = 256
_TOPK = 32


def _stage_a(pb_ref, wc_ref, cb_ref, wq_ref, bq_ref, wk_ref, bk_ref,
             wv_ref, bv_ref, q_ref, k_ref, v_ref):
    pb = pb_ref[0]
    f = jnp.dot(pb, wc_ref[...], preferred_element_type=jnp.float32)
    f = f + cb_ref[...]
    f = jnp.where(f >= 0, f, 0.01 * f)
    q_ref[0] = jnp.dot(f, wq_ref[...], preferred_element_type=jnp.float32) + bq_ref[...]
    k_ref[0] = jnp.dot(f, wk_ref[...], preferred_element_type=jnp.float32) + bk_ref[...]
    v_ref[0] = jnp.dot(f, wv_ref[...], preferred_element_type=jnp.float32) + bv_ref[...]


def _make_stage_b(n, rb, sw, scale):
    def _stage_b(q_ref, k_ref, v_ref, st_ref, o_ref):
        q = q_ref[0]
        k = k_ref[0]
        st = st_ref[0]
        s = jax.lax.dot_general(q, k, (((1,), (1,)), ((), ())),
                                preferred_element_type=jnp.float32) * scale
        m = jnp.max(s, axis=1, keepdims=True)
        p = jnp.exp(s - m)
        p = p / jnp.sum(p, axis=1, keepdims=True)
        col_iota = jax.lax.broadcasted_iota(jnp.int32, (rb, n), 1)
        row_ids = pl.program_id(1) * rb + jax.lax.broadcasted_iota(
            jnp.int32, (rb, 1), 0)
        factor = jnp.ones((rb, n), jnp.float32)
        for t in range(_TOPK):
            col = st[t, :].reshape(rb, 1)
            col = jnp.where(col == -1, row_ids, col)
            factor = jnp.where(col == col_iota, sw[t], factor)
        p = p * factor
        o_ref[0] = jnp.dot(p, v_ref[0], preferred_element_type=jnp.float32)
    return _stage_b


def _stage_c(ao_ref, wo_ref, bo_ref, out_ref):
    ao = ao_ref[0]
    o = jnp.dot(wo_ref[...], ao, preferred_element_type=jnp.float32)
    o = o + bo_ref[...]
    om = jnp.max(o, axis=0, keepdims=True)
    e = jnp.exp(o - om)
    out_ref[0] = e / jnp.sum(e, axis=0, keepdims=True)


def kernel(x, simi_mat, conv_w, conv_b, wq, bq, wk, bk, wv, bv, wout, bout):
    b, cin, hh, ww = x.shape
    cout = conv_w.shape[0]
    p = conv_w.shape[2]
    nh, nw = hh // p, ww // p
    n = nh * nw
    feat = cin * p * p

    patches = x.reshape(b, cin, nh, p, nw, p).transpose(0, 2, 4, 1, 3, 5)
    patches = patches.reshape(b, n, feat)
    wc = conv_w.reshape(cout, feat).T
    simi_t = simi_mat.transpose(0, 2, 1)

    cb2 = conv_b.reshape(1, cout)
    bq2 = bq.reshape(1, cout)
    bk2 = bk.reshape(1, cout)
    bv2 = bv.reshape(1, cout)
    bo2 = bout.reshape(1, 1)

    nblk = n // _RB
    grid_ab = (b, nblk)

    q, k, v = pl.pallas_call(
        _stage_a,
        grid=grid_ab,
        in_specs=[
            pl.BlockSpec((1, _RB, feat), lambda i, j: (i, j, 0)),
            pl.BlockSpec((feat, cout), lambda i, j: (0, 0)),
            pl.BlockSpec((1, cout), lambda i, j: (0, 0)),
            pl.BlockSpec((cout, cout), lambda i, j: (0, 0)),
            pl.BlockSpec((1, cout), lambda i, j: (0, 0)),
            pl.BlockSpec((cout, cout), lambda i, j: (0, 0)),
            pl.BlockSpec((1, cout), lambda i, j: (0, 0)),
            pl.BlockSpec((cout, cout), lambda i, j: (0, 0)),
            pl.BlockSpec((1, cout), lambda i, j: (0, 0)),
        ],
        out_specs=[
            pl.BlockSpec((1, _RB, cout), lambda i, j: (i, j, 0)),
            pl.BlockSpec((1, _RB, cout), lambda i, j: (i, j, 0)),
            pl.BlockSpec((1, _RB, cout), lambda i, j: (i, j, 0)),
        ],
        out_shape=[jax.ShapeDtypeStruct((b, n, cout), jnp.float32)] * 3,
    )(patches, wc, cb2, wq.T, bq2, wk.T, bk2, wv.T, bv2)

    hk = np.reciprocal(np.arange(1, _TOPK + 1, dtype=np.float64))
    sw = tuple((hk / hk.sum()).astype(np.float32).tolist())
    scale = float(1.0 / np.sqrt(np.float32(cout)))

    attn_out = pl.pallas_call(
        _make_stage_b(n, _RB, sw, scale),
        grid=grid_ab,
        in_specs=[
            pl.BlockSpec((1, _RB, cout), lambda i, j: (i, j, 0)),
            pl.BlockSpec((1, n, cout), lambda i, j: (i, 0, 0)),
            pl.BlockSpec((1, n, cout), lambda i, j: (i, 0, 0)),
            pl.BlockSpec((1, _TOPK, _RB), lambda i, j: (i, 0, j)),
        ],
        out_specs=pl.BlockSpec((1, _RB, cout), lambda i, j: (i, j, 0)),
        out_shape=jax.ShapeDtypeStruct((b, n, cout), jnp.float32),
    )(q, k, v, simi_t)

    out = pl.pallas_call(
        _stage_c,
        grid=(b,),
        in_specs=[
            pl.BlockSpec((1, n, cout), lambda i: (i, 0, 0)),
            pl.BlockSpec((1, n), lambda i: (0, 0)),
            pl.BlockSpec((1, 1), lambda i: (0, 0)),
        ],
        out_specs=pl.BlockSpec((1, 1, cout), lambda i: (i, 0, 0)),
        out_shape=jax.ShapeDtypeStruct((b, 1, cout), jnp.float32),
    )(attn_out, wout, bo2)

    return out.reshape(b, cout, 1)

# --- scband reference (transcript-rebuilt; emitter-appended) ---
"""Pipeline reference for scband-modulation-block-755914244791 (READ-ONLY COPY).

The authoritative reference and input builder live on the scoring server;
editing this copy changes nothing except your own understanding.
"""

import jax, jax.numpy as jnp
import numpy as np


def setup_inputs(seed: int = 0) -> dict:
    key = jax.random.key(seed)
    ks = jax.random.split(key, 12)
    b, cin, cout = 16, 64, 128
    x = jax.random.normal(ks[0], (b, cin, 256, 256), dtype=jnp.float32)
    simi_mat = jax.random.randint(ks[1], (b, 1024, 32), 0, 1024, dtype=jnp.int32)
    s_conv = 1.0 / np.sqrt(cin * 8 * 8)
    conv_w = jax.random.uniform(ks[2], (cout, cin, 8, 8), minval=-s_conv, maxval=s_conv, dtype=jnp.float32)
    conv_b = jax.random.uniform(ks[3], (cout,), minval=-s_conv, maxval=s_conv, dtype=jnp.float32)
    s_lin = 1.0 / np.sqrt(cout)
    wq = jax.random.uniform(ks[4], (cout, cout), minval=-s_lin, maxval=s_lin, dtype=jnp.float32)
    bq = jax.random.uniform(ks[5], (cout,), minval=-s_lin, maxval=s_lin, dtype=jnp.float32)
    wk = jax.random.uniform(ks[6], (cout, cout), minval=-s_lin, maxval=s_lin, dtype=jnp.float32)
    bk = jax.random.uniform(ks[7], (cout,), minval=-s_lin, maxval=s_lin, dtype=jnp.float32)
    wv = jax.random.uniform(ks[8], (cout, cout), minval=-s_lin, maxval=s_lin, dtype=jnp.float32)
    bv = jax.random.uniform(ks[9], (cout,), minval=-s_lin, maxval=s_lin, dtype=jnp.float32)
    s_out = 1.0 / np.sqrt(1024)
    wout = jax.random.uniform(ks[10], (1, 1024), minval=-s_out, maxval=s_out, dtype=jnp.float32)
    bout = jax.random.uniform(ks[11], (1,), minval=-s_out, maxval=s_out, dtype=jnp.float32)
    return {"x": x, "simi_mat": simi_mat, "conv_w": conv_w, "conv_b": conv_b,
            "wq": wq, "bq": bq, "wk": wk, "bk": bk, "wv": wv, "bv": bv,
            "wout": wout, "bout": bout}


def reference(x, simi_mat, conv_w, conv_b, wq, bq, wk, bk, wv, bv, wout, bout):
    conv_out = jax.lax.conv_general_dilated(
        x, conv_w, window_strides=(8, 8), padding='VALID',
        dimension_numbers=('NCHW', 'OIHW', 'NCHW'))
    conv_out = conv_out + conv_b[None, :, None, None]
    # LeakyReLU (default negative_slope=0.01)
    conv_out = jnp.where(conv_out >= 0, conv_out, 0.01 * conv_out)
    b, c = conv_out.shape[0], conv_out.shape[1]
    flattened = conv_out.reshape(b, c, -1).transpose(0, 2, 1)  # [b, 1024, c]
    q = flattened @ wq.T + bq
    k = flattened @ wk.T + bk
    v = flattened @ wv.T + bv
    attn_weights = jnp.einsum('bic,bjc->bij', q, k) / jnp.sqrt(jnp.float32(c))
    attn_weights = jax.nn.softmax(attn_weights, axis=-1)
    num_patches, top_k = 1024, 32
    simi = simi_mat.astype(jnp.int32)
    row_indices = jnp.broadcast_to(jnp.arange(num_patches, dtype=jnp.int32)[None, :, None],
                                   (b, num_patches, top_k))
    simi = jnp.where(simi == -1, row_indices, simi)
    sw = 1.0 / jnp.arange(1, top_k + 1, dtype=jnp.float32)
    sw = sw / sw.sum()
    attention_values = jnp.take_along_axis(attn_weights, simi, axis=2)
    weighted = attention_values * sw[None, None, :]
    bi = jnp.arange(b)[:, None, None]
    ri = jnp.arange(num_patches)[None, :, None]
    attn_weights = attn_weights.at[bi, ri, simi].set(weighted)
    attn_out = jnp.einsum('bij,bjc->bic', attn_weights, v)  # [b, 1024, c]
    transposed = attn_out.transpose(0, 2, 1)  # [b, c, 1024]
    out = transposed @ wout.T + bout  # [b, c, 1]
    return jax.nn.softmax(out, axis=-1)

if __name__ == "__main__":
    import jax
    _d = setup_inputs()
    print(jax.jit(kernel)(*tuple(_d.values())))

</pallas_src>

<mosaic_0001>
module attributes {stable_mosaic.version = 14 : i64} {
  func.func @_stage_a(%arg0: i32, %arg1: i32, %arg2: memref<1x256x4096xf32, #tpu.memory_space<vmem>>, %arg3: memref<4096x128xf32, #tpu.memory_space<vmem>>, %arg4: memref<1x128xf32, #tpu.memory_space<vmem>>, %arg5: memref<128x128xf32, #tpu.memory_space<vmem>>, %arg6: memref<1x128xf32, #tpu.memory_space<vmem>>, %arg7: memref<128x128xf32, #tpu.memory_space<vmem>>, %arg8: memref<1x128xf32, #tpu.memory_space<vmem>>, %arg9: memref<128x128xf32, #tpu.memory_space<vmem>>, %arg10: memref<1x128xf32, #tpu.memory_space<vmem>>, %arg11: memref<1x256x128xf32, #tpu.memory_space<vmem>>, %arg12: memref<1x256x128xf32, #tpu.memory_space<vmem>>, %arg13: memref<1x256x128xf32, #tpu.memory_space<vmem>>) attributes {dimension_semantics = [#tpu.dimension_semantics<arbitrary>, #tpu.dimension_semantics<arbitrary>], iteration_bounds = array<i64: 16, 4>, scalar_prefetch = 0 : i64, scratch_operands = 0 : i64, tpu.core_type = #tpu.core_type<tc>, window_params = [{transform_indices = @transform_0, window_bounds = array<i64: 1, 256, 4096>}, {pipeline_mode = #tpu.pipeline_mode<synchronous>, transform_indices = @transform_1, window_bounds = array<i64: 4096, 128>}, {pipeline_mode = #tpu.pipeline_mode<synchronous>, transform_indices = @transform_2, window_bounds = array<i64: 1, 128>}, {pipeline_mode = #tpu.pipeline_mode<synchronous>, transform_indices = @transform_3, window_bounds = array<i64: 128, 128>}, {pipeline_mode = #tpu.pipeline_mode<synchronous>, transform_indices = @transform_4, window_bounds = array<i64: 1, 128>}, {pipeline_mode = #tpu.pipeline_mode<synchronous>, transform_indices = @transform_5, window_bounds = array<i64: 128, 128>}, {pipeline_mode = #tpu.pipeline_mode<synchronous>, transform_indices = @transform_6, window_bounds = array<i64: 1, 128>}, {pipeline_mode = #tpu.pipeline_mode<synchronous>, transform_indices = @transform_7, window_bounds = array<i64: 128, 128>}, {pipeline_mode = #tpu.pipeline_mode<synchronous>, transform_indices = @transform_8, window_bounds = array<i64: 1, 128>}, {transform_indices = @transform_9, window_bounds = array<i64: 1, 256, 128>}, {transform_indices = @transform_10, window_bounds = array<i64: 1, 256, 128>}, {transform_indices = @transform_11, window_bounds = array<i64: 1, 256, 128>}]} {
    %get3A = arith.constant 0 : index
    %get3A_0 = arith.constant 0 : index
    %get3A_1 = arith.constant 0 : index
    %get3A_2 = vector.load %arg2[%get3A, %get3A_0, %get3A_1] : memref<1x256x4096xf32, #tpu.memory_space<vmem>>, vector<1x256x4096xf32>
    %get3A_3 = vector.shape_cast %get3A_2 : vector<1x256x4096xf32> to vector<256x4096xf32>
    %get3A_4 = arith.constant 0 : index
    %get3A_5 = arith.constant 0 : index
    %get3A_6 = vector.load %arg3[%get3A_4, %get3A_5] : memref<4096x128xf32, #tpu.memory_space<vmem>>, vector<4096x128xf32>
    %dot_general3A = arith.constant dense<0.000000e+00> : vector<256x128xf32>
    %dot_general3A_7 = tpu.matmul %get3A_3, %get3A_6, %dot_general3A {dimension_numbers = #tpu.dot_dimension_numbers<[1], [0], [0], [1], [0, 0, 1, 1], [], []>, transpose_lhs_hint = false} : vector<256x4096xf32>, vector<4096x128xf32>, vector<256x128xf32> -> vector<256x128xf32>
    %get3A_8 = arith.constant 0 : index
    %get3A_9 = arith.constant 0 : index
    %get3A_10 = vector.load %arg4[%get3A_8, %get3A_9] : memref<1x128xf32, #tpu.memory_space<vmem>>, vector<1x128xf32>
    %add3A = vector.broadcast %get3A_10 : vector<1x128xf32> to vector<256x128xf32>
    %add3A_11 = arith.addf %dot_general3A_7, %add3A : vector<256x128xf32>
    %ge3A = arith.constant 0.000000e+00 : f32
    %ge3A_12 = vector.broadcast %ge3A : f32 to vector<256x128xf32>
    %ge3A_13 = arith.cmpf oge, %add3A_11, %ge3A_12 : vector<256x128xf32>
    %mul3A = arith.constant 0.00999999977 : f32
    %mul3A_14 = vector.broadcast %mul3A : f32 to vector<256x128xf32>
    %mul3A_15 = arith.mulf %mul3A_14, %add3A_11 : vector<256x128xf32>
    %select_n3A = arith.select %ge3A_13, %add3A_11, %mul3A_15 : vector<256x128xi1>, vector<256x128xf32>
    %get3A_16 = arith.constant 0 : index
    %get3A_17 = arith.constant 0 : index
    %get3A_18 = vector.load %arg5[%get3A_16, %get3A_17] : memref<128x128xf32, #tpu.memory_space<vmem>>, vector<128x128xf32>
    %dot_general3A_19 = arith.constant dense<0.000000e+00> : vector<256x128xf32>
    %dot_general3A_20 = tpu.matmul %select_n3A, %get3A_18, %dot_general3A_19 {dimension_numbers = #tpu.dot_dimension_numbers<[1], [0], [0], [1], [0, 0, 1, 1], [], []>, transpose_lhs_hint = false} : vector<256x128xf32>, vector<128x128xf32>, vector<256x128xf32> -> vector<256x128xf32>
    %get3A_21 = arith.constant 0 : index
    %get3A_22 = arith.constant 0 : index
    %get3A_23 = vector.load %arg6[%get3A_21, %get3A_22] : memref<1x128xf32, #tpu.memory_space<vmem>>, vector<1x128xf32>
    %add3A_24 = vector.broadcast %get3A_23 : vector<1x128xf32> to vector<256x128xf32>
    %add3A_25 = arith.addf %dot_general3A_20, %add3A_24 : vector<256x128xf32>
    %swap3A = arith.constant 0 : index
    %swap3A_26 = arith.constant 0 : index
    %swap3A_27 = arith.constant 0 : index
    %swap3A_28 = vector.load %arg11[%swap3A, %swap3A_26, %swap3A_27] : memref<1x256x128xf32, #tpu.memory_space<vmem>>, vector<1x256x128xf32>
    %swap3A_29 = vector.shape_cast %swap3A_28 : vector<1x256x128xf32> to vector<256x128xf32>
    %swap3A_30 = vector.shape_cast %add3A_25 : vector<256x128xf32> to vector<1x256x128xf32>
    tpu.vector_store %arg11[%swap3A, %swap3A_26, %swap3A_27], %swap3A_30 {strides = array<i32>} : memref<1x256x128xf32, #tpu.memory_space<vmem>>, vector<1x256x128xf32>,
    %get3A_31 = arith.constant 0 : index
    %get3A_32 = arith.constant 0 : index
    %get3A_33 = vector.load %arg7[%get3A_31, %get3A_32] : memref<128x128xf32, #tpu.memory_space<vmem>>, vector<128x128xf32>
    %dot_general3A_34 = arith.constant dense<0.000000e+00> : vector<256x128xf32>
    %dot_general3A_35 = tpu.matmul %select_n3A, %get3A_33, %dot_general3A_34 {dimension_numbers = #tpu.dot_dimension_numbers<[1], [0], [0], [1], [0, 0, 1, 1], [], []>, transpose_lhs_hint = false} : vector<256x128xf32>, vector<128x128xf32>, vector<256x128xf32> -> vector<256x128xf32>
    %get3A_36 = arith.constant 0 : index
    %get3A_37 = arith.constant 0 : index
    %get3A_38 = vector.load %arg8[%get3A_36, %get3A_37] : memref<1x128xf32, #tpu.memory_space<vmem>>, vector<1x128xf32>
    %add3A_39 = vector.broadcast %get3A_38 : vector<1x128xf32> to vector<256x128xf32>
    %add3A_40 = arith.addf %dot_general3A_35, %add3A_39 : vector<256x128xf32>
    %swap3A_41 = arith.constant 0 : index
    %swap3A_42 = arith.constant 0 : index
    %swap3A_43 = arith.constant 0 : index
    %swap3A_44 = vector.load %arg12[%swap3A_41, %swap3A_42, %swap3A_43] : memref<1x256x128xf32, #tpu.memory_space<vmem>>, vector<1x256x128xf32>
    %swap3A_45 = vector.shape_cast %swap3A_44 : vector<1x256x128xf32> to vector<256x128xf32>
    %swap3A_46 = vector.shape_cast %add3A_40 : vector<256x128xf32> to vector<1x256x128xf32>
    tpu.vector_store %arg12[%swap3A_41, %swap3A_42, %swap3A_43], %swap3A_46 {strides = array<i32>} : memref<1x256x128xf32, #tpu.memory_space<vmem>>, vector<1x256x128xf32>,
    %get3A_47 = arith.constant 0 : index
    %get3A_48 = arith.constant 0 : index
    %get3A_49 = vector.load %arg9[%get3A_47, %get3A_48] : memref<128x128xf32, #tpu.memory_space<vmem>>, vector<128x128xf32>
    %dot_general3A_50 = arith.constant dense<0.000000e+00> : vector<256x128xf32>
    %dot_general3A_51 = tpu.matmul %select_n3A, %get3A_49, %dot_general3A_50 {dimension_numbers = #tpu.dot_dimension_numbers<[1], [0], [0], [1], [0, 0, 1, 1], [], []>, transpose_lhs_hint = false} : vector<256x128xf32>, vector<128x128xf32>, vector<256x128xf32> -> vector<256x128xf32>
    %get3A_52 = arith.constant 0 : index
    %get3A_53 = arith.constant 0 : index
    %get3A_54 = vector.load %arg10[%get3A_52, %get3A_53] : memref<1x128xf32, #tpu.memory_space<vmem>>, vector<1x128xf32>
    %add3A_55 = vector.broadcast %get3A_54 : vector<1x128xf32> to vector<256x128xf32>
    %add3A_56 = arith.addf %dot_general3A_51, %add3A_55 : vector<256x128xf32>
    %swap3A_57 = arith.constant 0 : index
    %swap3A_58 = arith.constant 0 : index
    %swap3A_59 = arith.constant 0 : index
    %swap3A_60 = vector.load %arg13[%swap3A_57, %swap3A_58, %swap3A_59] : memref<1x256x128xf32, #tpu.memory_space<vmem>>, vector<1x256x128xf32>
    %swap3A_61 = vector.shape_cast %swap3A_60 : vector<1x256x128xf32> to vector<256x128xf32>
    %swap3A_62 = vector.shape_cast %add3A_56 : vector<256x128xf32> to vector<1x256x128xf32>
    tpu.vector_store %arg13[%swap3A_57, %swap3A_58, %swap3A_59], %swap3A_62 {strides = array<i32>} : memref<1x256x128xf32, #tpu.memory_space<vmem>>, vector<1x256x128xf32>,
    return
  }
  func.func @transform_0(%arg0: i32, %arg1: i32) -> (i32, i32, i32) {
    %c0_i32 = arith.constant 0 : i32
    %c0_i32_0 = arith.constant 0 : i32
    return %arg0, %arg1, %c0_i32 : i32, i32, i32
  }
  func.func @transform_1(%arg0: i32, %arg1: i32) -> (i32, i32) {
    %c0_i32 = arith.constant 0 : i32
    %c0_i32_0 = arith.constant 0 : i32
    %c0_i32_1 = arith.constant 0 : i32
    return %c0_i32, %c0_i32_0 : i32, i32
  }
  func.func @transform_2(%arg0: i32, %arg1: i32) -> (i32, i32) {
    %c0_i32 = arith.constant 0 : i32
    %c0_i32_0 = arith.constant 0 : i32
    %c0_i32_1 = arith.constant 0 : i32
    return %c0_i32, %c0_i32_0 : i32, i32
  }
  func.func @transform_3(%arg0: i32, %arg1: i32) -> (i32, i32) {
    %c0_i32 = arith.constant 0 : i32
    %c0_i32_0 = arith.constant 0 : i32
    %c0_i32_1 = arith.constant 0 : i32
    return %c0_i32, %c0_i32_0 : i32, i32
  }
  func.func @transform_4(%arg0: i32, %arg1: i32) -> (i32, i32) {
    %c0_i32 = arith.constant 0 : i32
    %c0_i32_0 = arith.constant 0 : i32
    %c0_i32_1 = arith.constant 0 : i32
    return %c0_i32, %c0_i32_0 : i32, i32
  }
  func.func @transform_5(%arg0: i32, %arg1: i32) -> (i32, i32) {
    %c0_i32 = arith.constant 0 : i32
    %c0_i32_0 = arith.constant 0 : i32
    %c0_i32_1 = arith.constant 0 : i32
    return %c0_i32, %c0_i32_0 : i32, i32
  }
  func.func @transform_6(%arg0: i32, %arg1: i32) -> (i32, i32) {
    %c0_i32 = arith.constant 0 : i32
    %c0_i32_0 = arith.constant 0 : i32
    %c0_i32_1 = arith.constant 0 : i32
    return %c0_i32, %c0_i32_0 : i32, i32
  }
  func.func @transform_7(%arg0: i32, %arg1: i32) -> (i32, i32) {
    %c0_i32 = arith.constant 0 : i32
    %c0_i32_0 = arith.constant 0 : i32
    %c0_i32_1 = arith.constant 0 : i32
    return %c0_i32, %c0_i32_0 : i32, i32
  }
  func.func @transform_8(%arg0: i32, %arg1: i32) -> (i32, i32) {
    %c0_i32 = arith.constant 0 : i32
    %c0_i32_0 = arith.constant 0 : i32
    %c0_i32_1 = arith.constant 0 : i32
    return %c0_i32, %c0_i32_0 : i32, i32
  }
  func.func @transform_9(%arg0: i32, %arg1: i32) -> (i32, i32, i32) {
    %c0_i32 = arith.constant 0 : i32
    %c0_i32_0 = arith.constant 0 : i32
    return %arg0, %arg1, %c0_i32 : i32, i32, i32
  }
  func.func @transform_10(%arg0: i32, %arg1: i32) -> (i32, i32, i32) {
    %c0_i32 = arith.constant 0 : i32
    %c0_i32_0 = arith.constant 0 : i32
    return %arg0, %arg1, %c0_i32 : i32, i32, i32
  }
  func.func @transform_11(%arg0: i32, %arg1: i32) -> (i32, i32, i32) {
    %c0_i32 = arith.constant 0 : i32
    %c0_i32_0 = arith.constant 0 : i32
    return %arg0, %arg1, %c0_i32 : i32, i32, i32
  }
}

module attributes {stable_mosaic.version = 14 : i64} {
  func.func @_stage_b(%arg0: i32, %arg1: i32, %arg2: memref<1x256x128xf32, #tpu.memory_space<vmem>>, %arg3: memref<1x1024x128xf32, #tpu.memory_space<vmem>>, %arg4: memref<1x1024x128xf32, #tpu.memory_space<vmem>>, %arg5: memref<1x32x256xi32, #tpu.memory_space<vmem>>, %arg6: memref<1x256x128xf32, #tpu.memory_space<vmem>>) attributes {dimension_semantics = [#tpu.dimension_semantics<arbitrary>, #tpu.dimension_semantics<arbitrary>], iteration_bounds = array<i64: 16, 4>, scalar_prefetch = 0 : i64, scratch_operands = 0 : i64, tpu.core_type = #tpu.core_type<tc>, window_params = [{transform_indices = @transform_0, window_bounds = array<i64: 1, 256, 128>}, {transform_indices = @transform_1, window_bounds = array<i64: 1, 1024, 128>}, {transform_indices = @transform_2, window_bounds = array<i64: 1, 1024, 128>}, {transform_indices = @transform_3, window_bounds = array<i64: 1, 32, 256>}, {transform_indices = @transform_4, window_bounds = array<i64: 1, 256, 128>}]} {
    %get3A = arith.constant 0 : index
    %get3A_0 = arith.constant 0 : index
    %get3A_1 = arith.constant 0 : index
    %get3A_2 = vector.load %arg2[%get3A, %get3A_0, %get3A_1] : memref<1x256x128xf32, #tpu.memory_space<vmem>>, vector<1x256x128xf32>
    %get3A_3 = vector.shape_cast %get3A_2 : vector<1x256x128xf32> to vector<256x128xf32>
    %get3A_4 = arith.constant 0 : index
    %get3A_5 = arith.constant 0 : index
    %get3A_6 = arith.constant 0 : index
    %get3A_7 = vector.load %arg3[%get3A_4, %get3A_5, %get3A_6] : memref<1x1024x128xf32, #tpu.memory_space<vmem>>, vector<1x1024x128xf32>
    %get3A_8 = vector.shape_cast %get3A_7 : vector<1x1024x128xf32> to vector<1024x128xf32>
    %get3A_9 = arith.constant 0 : index
    %get3A_10 = arith.constant 0 : index
    %get3A_11 = arith.constant 0 : index
    %get3A_12 = vector.load %arg5[%get3A_9, %get3A_10, %get3A_11] : memref<1x32x256xi32, #tpu.memory_space<vmem>>, vector<1x32x256xi32>
    %get3A_13 = vector.shape_cast %get3A_12 : vector<1x32x256xi32> to vector<32x256xi32>
    %dot_general3A = arith.constant dense<0.000000e+00> : vector<256x1024xf32>
    %dot_general3A_14 = tpu.matmul %get3A_3, %get3A_8, %dot_general3A {dimension_numbers = #tpu.dot_dimension_numbers<[1], [1], [0], [0], [0, 0, 1, 0], [], []>, transpose_lhs_hint = false} : vector<256x128xf32>, vector<1024x128xf32>, vector<256x1024xf32> -> vector<256x1024xf32>
    %mul3A = arith.constant 0.0883883461 : f32
    %mul3A_15 = vector.broadcast %mul3A : f32 to vector<256x1024xf32>
    %mul3A_16 = arith.mulf %dot_general3A_14, %mul3A_15 : vector<256x1024xf32>
    %reduce_max3A = arith.constant dense<0xFF800000> : vector<256xf32>
    %reduce_max3A_17 = vector.multi_reduction <maximumf>, %mul3A_16, %reduce_max3A [1] : vector<256x1024xf32> to vector<256xf32>
    %broadcast_in_dim3A = vector.shape_cast %reduce_max3A_17 : vector<256xf32> to vector<256x1xf32>
    %sub3A = vector.broadcast %broadcast_in_dim3A : vector<256x1xf32> to vector<256x1024xf32>
    %sub3A_18 = arith.subf %mul3A_16, %sub3A : vector<256x1024xf32>
    %exp3A = math.exp %sub3A_18 : vector<256x1024xf32>
    %reduce_sum3A = arith.constant dense<0.000000e+00> : vector<256xf32>
    %reduce_sum3A_19 = vector.multi_reduction <add>, %exp3A, %reduce_sum3A [1] : vector<256x1024xf32> to vector<256xf32>
    %broadcast_in_dim3A_20 = vector.shape_cast %reduce_sum3A_19 : vector<256xf32> to vector<256x1xf32>
    %div3A = vector.broadcast %broadcast_in_dim3A_20 : vector<256x1xf32> to vector<256x1024xf32>
    %div3A_21 = arith.divf %exp3A, %div3A : vector<256x1024xf32>
    %iota3A = tpu.iota {dimensions = array<i32: 1>} : vector<256x1024xi32>
    %mul3A_22 = arith.constant 256 : i32
    %mul3A_23 = arith.muli %arg1, %mul3A_22 : i32
    %iota3A_24 = tpu.iota {dimensions = array<i32: 0>} : vector<256x1xi32>
    %add3A = vector.broadcast %mul3A_23 : i32 to vector<256x1xi32>
    %add3A_25 = arith.addi %add3A, %iota3A_24 : vector<256x1xi32>
    %broadcast_in_dim3A_26 = arith.constant 1.000000e+00 : f32
    %broadcast_in_dim3A_27 = vector.broadcast %broadcast_in_dim3A_26 : f32 to vector<256x1024xf32>
    %slice3A = vector.extract_strided_slice %get3A_13 {offsets = [0, 0], sizes = [1, 256], strides = [1, 1]} : vector<32x256xi32> to vector<1x256xi32>
    %squeeze3A = vector.shape_cast %slice3A : vector<1x256xi32> to vector<256xi32>
    %reshape3A = vector.shape_cast %squeeze3A : vector<256xi32> to vector<256x1xi32>
    %eq3A = arith.constant -1 : i32
    %eq3A_28 = vector.broadcast %eq3A : i32 to vector<256x1xi32>
    %eq3A_29 = arith.cmpi eq, %reshape3A, %eq3A_28 : vector<256x1xi32>
    %select_n3A = arith.select %eq3A_29, %add3A_25, %reshape3A : vector<256x1xi1>, vector<256x1xi32>
    %eq3A_30 = vector.broadcast %select_n3A : vector<256x1xi32> to vector<256x1024xi32>
    %eq3A_31 = arith.cmpi eq, %eq3A_30, %iota3A : vector<256x1024xi32>
    %jit3A = arith.constant 0.24639675 : f32
    %broadcast_in_dim3A_32 = vector.broadcast %jit3A : f32 to vector<256x1024xf32>
    %select_n3A_33 = arith.select %eq3A_31, %broadcast_in_dim3A_32, %broadcast_in_dim3A_27 : vector<256x1024xi1>, vector<256x1024xf32>
    %slice3A_34 = vector.extract_strided_slice %get3A_13 {offsets = [1, 0], sizes = [1, 256], strides = [1, 1]} : vector<32x256xi32> to vector<1x256xi32>
    %squeeze3A_35 = vector.shape_cast %slice3A_34 : vector<1x256xi32> to vector<256xi32>
    %reshape3A_36 = vector.shape_cast %squeeze3A_35 : vector<256xi32> to vector<256x1xi32>
    %eq3A_37 = arith.constant -1 : i32
    %eq3A_38 = vector.broadcast %eq3A_37 : i32 to vector<256x1xi32>
    %eq3A_39 = arith.cmpi eq, %reshape3A_36, %eq3A_38 : vector<256x1xi32>
    %select_n3A_40 = arith.select %eq3A_39, %add3A_25, %reshape3A_36 : vector<256x1xi1>, vector<256x1xi32>
    %eq3A_41 = vector.broadcast %select_n3A_40 : vector<256x1xi32> to vector<256x1024xi32>
    %eq3A_42 = arith.cmpi eq, %eq3A_41, %iota3A : vector<256x1024xi32>
    %jit3A_43 = arith.constant 0.123198375 : f32
    %broadcast_in_dim3A_44 = vector.broadcast %jit3A_43 : f32 to vector<256x1024xf32>
    %select_n3A_45 = arith.select %eq3A_42, %broadcast_in_dim3A_44, %select_n3A_33 : vector<256x1024xi1>, vector<256x1024xf32>
    %slice3A_46 = vector.extract_strided_slice %get3A_13 {offsets = [2, 0], sizes = [1, 256], strides = [1, 1]} : vector<32x256xi32> to vector<1x256xi32>
    %squeeze3A_47 = vector.shape_cast %slice3A_46 : vector<1x256xi32> to vector<256xi32>
    %reshape3A_48 = vector.shape_cast %squeeze3A_47 : vector<256xi32> to vector<256x1xi32>
    %eq3A_49 = arith.constant -1 : i32
    %eq3A_50 = vector.broadcast %eq3A_49 : i32 to vector<256x1xi32>
    %eq3A_51 = arith.cmpi eq, %reshape3A_48, %eq3A_50 : vector<256x1xi32>
    %select_n3A_52 = arith.select %eq3A_51, %add3A_25, %reshape3A_48 : vector<256x1xi1>, vector<256x1xi32>
    %eq3A_53 = vector.broadcast %select_n3A_52 : vector<256x1xi32> to vector<256x1024xi32>
    %eq3A_54 = arith.cmpi eq, %eq3A_53, %iota3A : vector<256x1024xi32>
    %jit3A_55 = arith.constant 0.08213225 : f32
    %broadcast_in_dim3A_56 = vector.broadcast %jit3A_55 : f32 to vector<256x1024xf32>
    %select_n3A_57 = arith.select %eq3A_54, %broadcast_in_dim3A_56, %select_n3A_45 : vector<256x1024xi1>, vector<256x1024xf32>
    %slice3A_58 = vector.extract_strided_slice %get3A_13 {offsets = [3, 0], sizes = [1, 256], strides = [1, 1]} : vector<32x256xi32> to vector<1x256xi32>
    %squeeze3A_59 = vector.shape_cast %slice3A_58 : vector<1x256xi32> to vector<256xi32>
    %reshape3A_60 = vector.shape_cast %squeeze3A_59 : vector<256xi32> to vector<256x1xi32>
    %eq3A_61 = arith.constant -1 : i32
    %eq3A_62 = vector.broadcast %eq3A_61 : i32 to vector<256x1xi32>
    %eq3A_63 = arith.cmpi eq, %reshape3A_60, %eq3A_62 : vector<256x1xi32>
    %select_n3A_64 = arith.select %eq3A_63, %add3A_25, %reshape3A_60 : vector<256x1xi1>, vector<256x1xi32>
    %eq3A_65 = vector.broadcast %select_n3A_64 : vector<256x1xi32> to vector<256x1024xi32>
    %eq3A_66 = arith.cmpi eq, %eq3A_65, %iota3A : vector<256x1024xi32>
    %jit3A_67 = arith.constant 0.0615991876 : f32
    %broadcast_in_dim3A_68 = vector.broadcast %jit3A_67 : f32 to vector<256x1024xf32>
    %select_n3A_69 = arith.select %eq3A_66, %broadcast_in_dim3A_68, %select_n3A_57 : vector<256x1024xi1>, vector<256x1024xf32>
    %slice3A_70 = vector.extract_strided_slice %get3A_13 {offsets = [4, 0], sizes = [1, 256], strides = [1, 1]} : vector<32x256xi32> to vector<1x256xi32>
    %squeeze3A_71 = vector.shape_cast %slice3A_70 : vector<1x256xi32> to vector<256xi32>
    %reshape3A_72 = vector.shape_cast %squeeze3A_71 : vector<256xi32> to vector<256x1xi32>
    %eq3A_73 = arith.constant -1 : i32
    %eq3A_74 = vector.broadcast %eq3A_73 : i32 to vector<256x1xi32>
    %eq3A_75 = arith.cmpi eq, %reshape3A_72, %eq3A_74 : vector<256x1xi32>
    %select_n3A_76 = arith.select %eq3A_75, %add3A_25, %reshape3A_72 : vector<256x1xi1>, vector<256x1xi32>
    %eq3A_77 = vector.broadcast %select_n3A_76 : vector<256x1xi32> to vector<256x1024xi32>
    %eq3A_78 = arith.cmpi eq, %eq3A_77, %iota3A : vector<256x1024xi32>
    %jit3A_79 = arith.constant 0.0492793471 : f32
    %broadcast_in_dim3A_80 = vector.broadcast %jit3A_79 : f32 to vector<256x1024xf32>
    %select_n3A_81 = arith.select %eq3A_78, %broadcast_in_dim3A_80, %select_n3A_69 : vector<256x1024xi1>, vector<256x1024xf32>
    %slice3A_82 = vector.extract_strided_slice %get3A_13 {offsets = [5, 0], sizes = [1, 256], strides = [1, 1]} : vector<32x256xi32> to vector<1x256xi32>
    %squeeze3A_83 = vector.shape_cast %slice3A_82 : vector<1x256xi32> to vector<256xi32>
    %reshape3A_84 = vector.shape_cast %squeeze3A_83 : vector<256xi32> to vector<256x1xi32>
    %eq3A_85 = arith.constant -1 : i32
    %eq3A_86 = vector.broadcast %eq3A_85 : i32 to vector<256x1xi32>
    %eq3A_87 = arith.cmpi eq, %reshape3A_84, %eq3A_86 : vector<256x1xi32>
    %select_n3A_88 = arith.select %eq3A_87, %add3A_25, %reshape3A_84 : vector<256x1xi1>, vector<256x1xi32>
    %eq3A_89 = vector.broadcast %select_n3A_88 : vector<256x1xi32> to vector<256x1024xi32>
    %eq3A_90 = arith.cmpi eq, %eq3A_89, %iota3A : vector<256x1024xi32>
    %jit3A_91 = arith.constant 0.041066125 : f32
    %broadcast_in_dim3A_92 = vector.broadcast %jit3A_91 : f32 to vector<256x1024xf32>
    %select_n3A_93 = arith.select %eq3A_90, %broadcast_in_dim3A_92, %select_n3A_81 : vector<256x1024xi1>, vector<256x1024xf32>
    %slice3A_94 = vector.extract_strided_slice %get3A_13 {offsets = [6, 0], sizes = [1, 256], strides = [1, 1]} : vector<32x256xi32> to vector<1x256xi32>
    %squeeze3A_95 = vector.shape_cast %slice3A_94 : vector<1x256xi32> to vector<256xi32>
    %reshape3A_96 = vector.shape_cast %squeeze3A_95 : vector<256xi32> to vector<256x1xi32>
    %eq3A_97 = arith.constant -1 : i32
    %eq3A_98 = vector.broadcast %eq3A_97 : i32 to vector<256x1xi32>
    %eq3A_99 = arith.cmpi eq, %reshape3A_96, %eq3A_98 : vector<256x1xi32>
    %select_n3A_100 = arith.select %eq3A_99, %add3A_25, %reshape3A_96 : vector<256x1xi1>, vector<256x1xi32>
    %eq3A_101 = vector.broadcast %select_n3A_100 : vector<256x1xi32> to vector<256x1024xi32>
    %eq3A_102 = arith.cmpi eq, %eq3A_101, %iota3A : vector<256x1024xi32>
    %jit3A_103 = arith.constant 0.0351995341 : f32
    %broadcast_in_dim3A_104 = vector.broadcast %jit3A_103 : f32 to vector<256x1024xf32>
    %select_n3A_105 = arith.select %eq3A_102, %broadcast_in_dim3A_104, %select_n3A_93 : vector<256x1024xi1>, vector<256x1024xf32>
    %slice3A_106 = vector.extract_strided_slice %get3A_13 {offsets = [7, 0], sizes = [1, 256], strides = [1, 1]} : vector<32x256xi32> to vector<1x256xi32>
    %squeeze3A_107 = vector.shape_cast %slice3A_106 : vector<1x256xi32> to vector<256xi32>
    %reshape3A_108 = vector.shape_cast %squeeze3A_107 : vector<256xi32> to vector<256x1xi32>
    %eq3A_109 = arith.constant -1 : i32
    %eq3A_110 = vector.broadcast %eq3A_109 : i32 to vector<256x1xi32>
    %eq3A_111 = arith.cmpi eq, %reshape3A_108, %eq3A_110 : vector<256x1xi32>
    %select_n3A_112 = arith.select %eq3A_111, %add3A_25, %reshape3A_108 : vector<256x1xi1>, vector<256x1xi32>
    %eq3A_113 = vector.broadcast %select_n3A_112 : vector<256x1xi32> to vector<256x1024xi32>
    %eq3A_114 = arith.cmpi eq, %eq3A_113, %iota3A : vector<256x1024xi32>
    %jit3A_115 = arith.constant 0.0307995938 : f32
    %broadcast_in_dim3A_116 = vector.broadcast %jit3A_115 : f32 to vector<256x1024xf32>
    %select_n3A_117 = arith.select %eq3A_114, %broadcast_in_dim3A_116, %select_n3A_105 : vector<256x1024xi1>, vector<256x1024xf32>
    %slice3A_118 = vector.extract_strided_slice %get3A_13 {offsets = [8, 0], sizes = [1, 256], strides = [1, 1]} : vector<32x256xi32> to vector<1x256xi32>
    %squeeze3A_119 = vector.shape_cast %slice3A_118 : vector<1x256xi32> to vector<256xi32>
    %reshape3A_120 = vector.shape_cast %squeeze3A_119 : vector<256xi32> to vector<256x1xi32>
    %eq3A_121 = arith.constant -1 : i32
    %eq3A_122 = vector.broadcast %eq3A_121 : i32 to vector<256x1xi32>
    %eq3A_123 = arith.cmpi eq, %reshape3A_120, %eq3A_122 : vector<256x1xi32>
    %select_n3A_124 = arith.select %eq3A_123, %add3A_25, %reshape3A_120 : vector<256x1xi1>, vector<256x1xi32>
    %eq3A_125 = vector.broadcast %select_n3A_124 : vector<256x1xi32> to vector<256x1024xi32>
    %eq3A_126 = arith.cmpi eq, %eq3A_125, %iota3A : vector<256x1024xi32>
    %jit3A_127 = arith.constant 0.0273774154 : f32
    %broadcast_in_dim3A_128 = vector.broadcast %jit3A_127 : f32 to vector<256x1024xf32>
    %select_n3A_129 = arith.select %eq3A_126, %broadcast_in_dim3A_128, %select_n3A_117 : vector<256x1024xi1>, vector<256x1024xf32>
    %slice3A_130 = vector.extract_strided_slice %get3A_13 {offsets = [9, 0], sizes = [1, 256], strides = [1, 1]} : vector<32x256xi32> to vector<1x256xi32>
    %squeeze3A_131 = vector.shape_cast %slice3A_130 : vector<1x256xi32> to vector<256xi32>
    %reshape3A_132 = vector.shape_cast %squeeze3A_131 : vector<256xi32> to vector<256x1xi32>
    %eq3A_133 = arith.constant -1 : i32
    %eq3A_134 = vector.broadcast %eq3A_133 : i32 to vector<256x1xi32>
    %eq3A_135 = arith.cmpi eq, %reshape3A_132, %eq3A_134 : vector<256x1xi32>
    %select_n3A_136 = arith.select %eq3A_135, %add3A_25, %reshape3A_132 : vector<256x1xi1>, vector<256x1xi32>
    %eq3A_137 = vector.broadcast %select_n3A_136 : vector<256x1xi32> to vector<256x1024xi32>
    %eq3A_138 = arith.cmpi eq, %eq3A_137, %iota3A : vector<256x1024xi32>
    %jit3A_139 = arith.constant 0.0246396735 : f32
    %broadcast_in_dim3A_140 = vector.broadcast %jit3A_139 : f32 to vector<256x1024xf32>
    %select_n3A_141 = arith.select %eq3A_138, %broadcast_in_dim3A_140, %select_n3A_129 : vector<256x1024xi1>, vector<256x1024xf32>
    %slice3A_142 = vector.extract_strided_slice %get3A_13 {offsets = [10, 0], sizes = [1, 256], strides = [1, 1]} : vector<32x256xi32> to vector<1x256xi32>
    %squeeze3A_143 = vector.shape_cast %slice3A_142 : vector<1x256xi32> to vector<256xi32>
    %reshape3A_144 = vector.shape_cast %squeeze3A_143 : vector<256xi32> to vector<256x1xi32>
    %eq3A_145 = arith.constant -1 : i32
    %eq3A_146 = vector.broadcast %eq3A_145 : i32 to vector<256x1xi32>
    %eq3A_147 = arith.cmpi eq, %reshape3A_144, %eq3A_146 : vector<256x1xi32>
    %select_n3A_148 = arith.select %eq3A_147, %add3A_25, %reshape3A_144 : vector<256x1xi1>, vector<256x1xi32>
    %eq3A_149 = vector.broadcast %select_n3A_148 : vector<256x1xi32> to vector<256x1024xi32>
    %eq3A_150 = arith.cmpi eq, %eq3A_149, %iota3A : vector<256x1024xi32>
    %jit3A_151 = arith.constant 0.022399703 : f32
    %broadcast_in_dim3A_152 = vector.broadcast %jit3A_151 : f32 to vector<256x1024xf32>
    %select_n3A_153 = arith.select %eq3A_150, %broadcast_in_dim3A_152, %select_n3A_141 : vector<256x1024xi1>, vector<256x1024xf32>
    %slice3A_154 = vector.extract_strided_slice %get3A_13 {offsets = [11, 0], sizes = [1, 256], strides = [1, 1]} : vector<32x256xi32> to vector<1x256xi32>
    %squeeze3A_155 = vector.shape_cast %slice3A_154 : vector<1x256xi32> to vector<256xi32>
    %reshape3A_156 = vector.shape_cast %squeeze3A_155 : vector<256xi32> to vector<256x1xi32>
    %eq3A_157 = arith.constant -1 : i32
    %eq3A_158 = vector.broadcast %eq3A_157 : i32 to vector<256x1xi32>
    %eq3A_159 = arith.cmpi eq, %reshape3A_156, %eq3A_158 : vector<256x1xi32>
    %select_n3A_160 = arith.select %eq3A_159, %add3A_25, %reshape3A_156 : vector<256x1xi1>, vector<256x1xi32>
    %eq3A_161 = vector.broadcast %select_n3A_160 : vector<256x1xi32> to vector<256x1024xi32>
    %eq3A_162 = arith.cmpi eq, %eq3A_161, %iota3A : vector<256x1024xi32>
    %jit3A_163 = arith.constant 0.0205330625 : f32
    %broadcast_in_dim3A_164 = vector.broadcast %jit3A_163 : f32 to vector<256x1024xf32>
    %select_n3A_165 = arith.select %eq3A_162, %broadcast_in_dim3A_164, %select_n3A_153 : vector<256x1024xi1>, vector<256x1024xf32>
    %slice3A_166 = vector.extract_strided_slice %get3A_13 {offsets = [12, 0], sizes = [1, 256], strides = [1, 1]} : vector<32x256xi32> to vector<1x256xi32>
    %squeeze3A_167 = vector.shape_cast %slice3A_166 : vector<1x256xi32> to vector<256xi32>
    %reshape3A_168 = vector.shape_cast %squeeze3A_167 : vector<256xi32> to vector<256x1xi32>
    %eq3A_169 = arith.constant -1 : i32
    %eq3A_170 = vector.broadcast %eq3A_169 : i32 to vector<256x1xi32>
    %eq3A_171 = arith.cmpi eq, %reshape3A_168, %eq3A_170 : vector<256x1xi32>
    %select_n3A_172 = arith.select %eq3A_171, %add3A_25, %reshape3A_168 : vector<256x1xi1>, vector<256x1xi32>
    %eq3A_173 = vector.broadcast %select_n3A_172 : vector<256x1xi32> to vector<256x1024xi32>
    %eq3A_174 = arith.cmpi eq, %eq3A_173, %iota3A : vector<256x1024xi32>
    %jit3A_175 = arith.constant 0.0189535953 : f32
    %broadcast_in_dim3A_176 = vector.broadcast %jit3A_175 : f32 to vector<256x1024xf32>
    %select_n3A_177 = arith.select %eq3A_174, %broadcast_in_dim3A_176, %select_n3A_165 : vector<256x1024xi1>, vector<256x1024xf32>
    %slice3A_178 = vector.extract_strided_slice %get3A_13 {offsets = [13, 0], sizes = [1, 256], strides = [1, 1]} : vector<32x256xi32> to vector<1x256xi32>
    %squeeze3A_179 = vector.shape_cast %slice3A_178 : vector<1x256xi32> to vector<256xi32>
    %reshape3A_180 = vector.shape_cast %squeeze3A_179 : vector<256xi32> to vector<256x1xi32>
    %eq3A_181 = arith.constant -1 : i32
    %eq3A_182 = vector.broadcast %eq3A_181 : i32 to vector<256x1xi32>
    %eq3A_183 = arith.cmpi eq, %reshape3A_180, %eq3A_182 : vector<256x1xi32>
    %select_n3A_184 = arith.select %eq3A_183, %add3A_25, %reshape3A_180 : vector<256x1xi1>, vector<256x1xi32>
    %eq3A_185 = vector.broadcast %select_n3A_184 : vector<256x1xi32> to vector<256x1024xi32>
    %eq3A_186 = arith.cmpi eq, %eq3A_185, %iota3A : vector<256x1024xi32>
    %jit3A_187 = arith.constant 0.0175997671 : f32
    %broadcast_in_dim3A_188 = vector.broadcast %jit3A_187 : f32 to vector<256x1024xf32>
    %select_n3A_189 = arith.select %eq3A_186, %broadcast_in_dim3A_188, %select_n3A_177 : vector<256x1024xi1>, vector<256x1024xf32>
    %slice3A_190 = vector.extract_strided_slice %get3A_13 {offsets = [14, 0], sizes = [1, 256], strides = [1, 1]} : vector<32x256xi32> to vector<1x256xi32>
    %squeeze3A_191 = vector.shape_cast %slice3A_190 : vector<1x256xi32> to vector<256xi32>
    %reshape3A_192 = vector.shape_cast %squeeze3A_191 : vector<256xi32> to vector<256x1xi32>
    %eq3A_193 = arith.constant -1 : i32
    %eq3A_194 = vector.broadcast %eq3A_193 : i32 to vector<256x1xi32>
    %eq3A_195 = arith.cmpi eq, %reshape3A_192, %eq3A_194 : vector<256x1xi32>
    %select_n3A_196 = arith.select %eq3A_195, %add3A_25, %reshape3A_192 : vector<256x1xi1>, vector<256x1xi32>
    %eq3A_197 = vector.broadcast %select_n3A_196 : vector<256x1xi32> to vector<256x1024xi32>
    %eq3A_198 = arith.cmpi eq, %eq3A_197, %iota3A : vector<256x1024xi32>
    %jit3A_199 = arith.constant 0.0164264496 : f32
    %broadcast_in_dim3A_200 = vector.broadcast %jit3A_199 : f32 to vector<256x1024xf32>
    %select_n3A_201 = arith.select %eq3A_198, %broadcast_in_dim3A_200, %select_n3A_189 : vector<256x1024xi1>, vector<256x1024xf32>
    %slice3A_202 = vector.extract_strided_slice %get3A_13 {offsets = [15, 0], sizes = [1, 256], strides = [1, 1]} : vector<32x256xi32> to vector<1x256xi32>
    %squeeze3A_203 = vector.shape_cast %slice3A_202 : vector<1x256xi32> to vector<256xi32>
    %reshape3A_204 = vector.shape_cast %squeeze3A_203 : vector<256xi32> to vector<256x1xi32>
    %eq3A_205 = arith.constant -1 : i32
    %eq3A_206 = vector.broadcast %eq3A_205 : i32 to vector<256x1xi32>
    %eq3A_207 = arith.cmpi eq, %reshape3A_204, %eq3A_206 : vector<256x1xi32>
    %select_n3A_208 = arith.select %eq3A_207, %add3A_25, %reshape3A_204 : vector<256x1xi1>, vector<256x1xi32>
    %eq3A_209 = vector.broadcast %select_n3A_208 : vector<256x1xi32> to vector<256x1024xi32>
    %eq3A_210 = arith.cmpi eq, %eq3A_209, %iota3A : vector<256x1024xi32>
    %jit3A_211 = arith.constant 0.0153997969 : f32
    %broadcast_in_dim3A_212 = vector.broadcast %jit3A_211 : f32 to vector<256x1024xf32>
    %select_n3A_213 = arith.select %eq3A_210, %broadcast_in_dim3A_212, %select_n3A_201 : vector<256x1024xi1>, vector<256x1024xf32>
    %slice3A_214 = vector.extract_strided_slice %get3A_13 {offsets = [16, 0], sizes = [1, 256], strides = [1, 1]} : vector<32x256xi32> to vector<1x256xi32>
    %squeeze3A_215 = vector.shape_cast %slice3A_214 : vector<1x256xi32> to vector<256xi32>
    %reshape3A_216 = vector.shape_cast %squeeze3A_215 : vector<256xi32> to vector<256x1xi32>
    %eq3A_217 = arith.constant -1 : i32
    %eq3A_218 = vector.broadcast %eq3A_217 : i32 to vector<256x1xi32>
    %eq3A_219 = arith.cmpi eq, %reshape3A_216, %eq3A_218 : vector<256x1xi32>
    %select_n3A_220 = arith.select %eq3A_219, %add3A_25, %reshape3A_216 : vector<256x1xi1>, vector<256x1xi32>
    %eq3A_221 = vector.broadcast %select_n3A_220 : vector<256x1xi32> to vector<256x1024xi32>
    %eq3A_222 = arith.cmpi eq, %eq3A_221, %iota3A : vector<256x1024xi32>
    %jit3A_223 = arith.constant 0.0144939264 : f32
    %broadcast_in_dim3A_224 = vector.broadcast %jit3A_223 : f32 to vector<256x1024xf32>
    %select_n3A_225 = arith.select %eq3A_222, %broadcast_in_dim3A_224, %select_n3A_213 : vector<256x1024xi1>, vector<256x1024xf32>
    %slice3A_226 = vector.extract_strided_slice %get3A_13 {offsets = [17, 0], sizes = [1, 256], strides = [1, 1]} : vector<32x256xi32> to vector<1x256xi32>
    %squeeze3A_227 = vector.shape_cast %slice3A_226 : vector<1x256xi32> to vector<256xi32>
    %reshape3A_228 = vector.shape_cast %squeeze3A_227 : vector<256xi32> to vector<256x1xi32>
    %eq3A_229 = arith.constant -1 : i32
    %eq3A_230 = vector.broadcast %eq3A_229 : i32 to vector<256x1xi32>
    %eq3A_231 = arith.cmpi eq, %reshape3A_228, %eq3A_230 : vector<256x1xi32>
    %select_n3A_232 = arith.select %eq3A_231, %add3A_25, %reshape3A_228 : vector<256x1xi1>, vector<256x1xi32>
    %eq3A_233 = vector.broadcast %select_n3A_232 : vector<256x1xi32> to vector<256x1024xi32>
    %eq3A_234 = arith.cmpi eq, %eq3A_233, %iota3A : vector<256x1024xi32>
    %jit3A_235 = arith.constant 0.0136887077 : f32
    %broadcast_in_dim3A_236 = vector.broadcast %jit3A_235 : f32 to vector<256x1024xf32>
    %select_n3A_237 = arith.select %eq3A_234, %broadcast_in_dim3A_236, %select_n3A_225 : vector<256x1024xi1>, vector<256x1024xf32>
    %slice3A_238 = vector.extract_strided_slice %get3A_13 {offsets = [18, 0], sizes = [1, 256], strides = [1, 1]} : vector<32x256xi32> to vector<1x256xi32>
    %squeeze3A_239 = vector.shape_cast %slice3A_238 : vector<1x256xi32> to vector<256xi32>
    %reshape3A_240 = vector.shape_cast %squeeze3A_239 : vector<256xi32> to vector<256x1xi32>
    %eq3A_241 = arith.constant -1 : i32
    %eq3A_242 = vector.broadcast %eq3A_241 : i32 to vector<256x1xi32>
    %eq3A_243 = arith.cmpi eq, %reshape3A_240, %eq3A_242 : vector<256x1xi32>
    %select_n3A_244 = arith.select %eq3A_243, %add3A_25, %reshape3A_240 : vector<256x1xi1>, vector<256x1xi32>
    %eq3A_245 = vector.broadcast %select_n3A_244 : vector<256x1xi32> to vector<256x1024xi32>
    %eq3A_246 = arith.cmpi eq, %eq3A_245, %iota3A : vector<256x1024xi32>
    %jit3A_247 = arith.constant 0.0129682496 : f32
    %broadcast_in_dim3A_248 = vector.broadcast %jit3A_247 : f32 to vector<256x1024xf32>
    %select_n3A_249 = arith.select %eq3A_246, %broadcast_in_dim3A_248, %select_n3A_237 : vector<256x1024xi1>, vector<256x1024xf32>
    %slice3A_250 = vector.extract_strided_slice %get3A_13 {offsets = [19, 0], sizes = [1, 256], strides = [1, 1]} : vector<32x256xi32> to vector<1x256xi32>
    %squeeze3A_251 = vector.shape_cast %slice3A_250 : vector<1x256xi32> to vector<256xi32>
    %reshape3A_252 = vector.shape_cast %squeeze3A_251 : vector<256xi32> to vector<256x1xi32>
    %eq3A_253 = arith.constant -1 : i32
    %eq3A_254 = vector.broadcast %eq3A_253 : i32 to vector<256x1xi32>
    %eq3A_255 = arith.cmpi eq, %reshape3A_252, %eq3A_254 : vector<256x1xi32>
    %select_n3A_256 = arith.select %eq3A_255, %add3A_25, %reshape3A_252 : vector<256x1xi1>, vector<256x1xi32>
    %eq3A_257 = vector.broadcast %select_n3A_256 : vector<256x1xi32> to vector<256x1024xi32>
    %eq3A_258 = arith.cmpi eq, %eq3A_257, %iota3A : vector<256x1024xi32>
    %jit3A_259 = arith.constant 0.0123198368 : f32
    %broadcast_in_dim3A_260 = vector.broadcast %jit3A_259 : f32 to vector<256x1024xf32>
    %select_n3A_261 = arith.select %eq3A_258, %broadcast_in_dim3A_260, %select_n3A_249 : vector<256x1024xi1>, vector<256x1024xf32>
    %slice3A_262 = vector.extract_strided_slice %get3A_13 {offsets = [20, 0], sizes = [1, 256], strides = [1, 1]} : vector<32x256xi32> to vector<1x256xi32>
    %squeeze3A_263 = vector.shape_cast %slice3A_262 : vector<1x256xi32> to vector<256xi32>
    %reshape3A_264 = vector.shape_cast %squeeze3A_263 : vector<256xi32> to vector<256x1xi32>
    %eq3A_265 = arith.constant -1 : i32
    %eq3A_266 = vector.broadcast %eq3A_265 : i32 to vector<256x1xi32>
    %eq3A_267 = arith.cmpi eq, %reshape3A_264, %eq3A_266 : vector<256x1xi32>
    %select_n3A_268 = arith.select %eq3A_267, %add3A_25, %reshape3A_264 : vector<256x1xi1>, vector<256x1xi32>
    %eq3A_269 = vector.broadcast %select_n3A_268 : vector<256x1xi32> to vector<256x1024xi32>
    %eq3A_270 = arith.cmpi eq, %eq3A_269, %iota3A : vector<256x1024xi32>
    %jit3A_271 = arith.constant 0.011733178 : f32
    %broadcast_in_dim3A_272 = vector.broadcast %jit3A_271 : f32 to vector<256x1024xf32>
    %select_n3A_273 = arith.select %eq3A_270, %broadcast_in_dim3A_272, %select_n3A_261 : vector<256x1024xi1>, vector<256x1024xf32>
    %slice3A_274 = vector.extract_strided_slice %get3A_13 {offsets = [21, 0], sizes = [1, 256], strides = [1, 1]} : vector<32x256xi32> to vector<1x256xi32>
    %squeeze3A_275 = vector.shape_cast %slice3A_274 : vector<1x256xi32> to vector<256xi32>
    %reshape3A_276 = vector.shape_cast %squeeze3A_275 : vector<256xi32> to vector<256x1xi32>
    %eq3A_277 = arith.constant -1 : i32
    %eq3A_278 = vector.broadcast %eq3A_277 : i32 to vector<256x1xi32>
    %eq3A_279 = arith.cmpi eq, %reshape3A_276, %eq3A_278 : vector<256x1xi32>
    %select_n3A_280 = arith.select %eq3A_279, %add3A_25, %reshape3A_276 : vector<256x1xi1>, vector<256x1xi32>
    %eq3A_281 = vector.broadcast %select_n3A_280 : vector<256x1xi32> to vector<256x1024xi32>
    %eq3A_282 = arith.cmpi eq, %eq3A_281, %iota3A : vector<256x1024xi32>
    %jit3A_283 = arith.constant 0.0111998515 : f32
    %broadcast_in_dim3A_284 = vector.broadcast %jit3A_283 : f32 to vector<256x1024xf32>
    %select_n3A_285 = arith.select %eq3A_282, %broadcast_in_dim3A_284, %select_n3A_273 : vector<256x1024xi1>, vector<256x1024xf32>
    %slice3A_286 = vector.extract_strided_slice %get3A_13 {offsets = [22, 0], sizes = [1, 256], strides = [1, 1]} : vector<32x256xi32> to vector<1x256xi32>
    %squeeze3A_287 = vector.shape_cast %slice3A_286 : vector<1x256xi32> to vector<256xi32>
    %reshape3A_288 = vector.shape_cast %squeeze3A_287 : vector<256xi32> to vector<256x1xi32>
    %eq3A_289 = arith.constant -1 : i32
    %eq3A_290 = vector.broadcast %eq3A_289 : i32 to vector<256x1xi32>
    %eq3A_291 = arith.cmpi eq, %reshape3A_288, %eq3A_290 : vector<256x1xi32>
    %select_n3A_292 = arith.select %eq3A_291, %add3A_25, %reshape3A_288 : vector<256x1xi1>, vector<256x1xi32>
    %eq3A_293 = vector.broadcast %select_n3A_292 : vector<256x1xi32> to vector<256x1024xi32>
    %eq3A_294 = arith.cmpi eq, %eq3A_293, %iota3A : vector<256x1024xi32>
    %jit3A_295 = arith.constant 0.0107129021 : f32
    %broadcast_in_dim3A_296 = vector.broadcast %jit3A_295 : f32 to vector<256x1024xf32>
    %select_n3A_297 = arith.select %eq3A_294, %broadcast_in_dim3A_296, %select_n3A_285 : vector<256x1024xi1>, vector<256x1024xf32>
    %slice3A_298 = vector.extract_strided_slice %get3A_13 {offsets = [23, 0], sizes = [1, 256], strides = [1, 1]} : vector<32x256xi32> to vector<1x256xi32>
    %squeeze3A_299 = vector.shape_cast %slice3A_298 : vector<1x256xi32> to vector<256xi32>
    %reshape3A_300 = vector.shape_cast %squeeze3A_299 : vector<256xi32> to vector<256x1xi32>
    %eq3A_301 = arith.constant -1 : i32
    %eq3A_302 = vector.broadcast %eq3A_301 : i32 to vector<256x1xi32>
    %eq3A_303 = arith.cmpi eq, %reshape3A_300, %eq3A_302 : vector<256x1xi32>
    %select_n3A_304 = arith.select %eq3A_303, %add3A_25, %reshape3A_300 : vector<256x1xi1>, vector<256x1xi32>
    %eq3A_305 = vector.broadcast %select_n3A_304 : vector<256x1xi32> to vector<256x1024xi32>
    %eq3A_306 = arith.cmpi eq, %eq3A_305, %iota3A : vector<256x1024xi32>
    %jit3A_307 = arith.constant 0.0102665313 : f32
    %broadcast_in_dim3A_308 = vector.broadcast %jit3A_307 : f32 to vector<256x1024xf32>
    %select_n3A_309 = arith.select %eq3A_306, %broadcast_in_dim3A_308, %select_n3A_297 : vector<256x1024xi1>, vector<256x1024xf32>
    %slice3A_310 = vector.extract_strided_slice %get3A_13 {offsets = [24, 0], sizes = [1, 256], strides = [1, 1]} : vector<32x256xi32> to vector<1x256xi32>
    %squeeze3A_311 = vector.shape_cast %slice3A_310 : vector<1x256xi32> to vector<256xi32>
    %reshape3A_312 = vector.shape_cast %squeeze3A_311 : vector<256xi32> to vector<256x1xi32>
    %eq3A_313 = arith.constant -1 : i32
    %eq3A_314 = vector.broadcast %eq3A_313 : i32 to vector<256x1xi32>
    %eq3A_315 = arith.cmpi eq, %reshape3A_312, %eq3A_314 : vector<256x1xi32>
    %select_n3A_316 = arith.select %eq3A_315, %add3A_25, %reshape3A_312 : vector<256x1xi1>, vector<256x1xi32>
    %eq3A_317 = vector.broadcast %select_n3A_316 : vector<256x1xi32> to vector<256x1024xi32>
    %eq3A_318 = arith.cmpi eq, %eq3A_317, %iota3A : vector<256x1024xi32>
    %jit3A_319 = arith.constant 9.855870e-03 : f32
    %broadcast_in_dim3A_320 = vector.broadcast %jit3A_319 : f32 to vector<256x1024xf32>
    %select_n3A_321 = arith.select %eq3A_318, %broadcast_in_dim3A_320, %select_n3A_309 : vector<256x1024xi1>, vector<256x1024xf32>
    %slice3A_322 = vector.extract_strided_slice %get3A_13 {offsets = [25, 0], sizes = [1, 256], strides = [1, 1]} : vector<32x256xi32> to vector<1x256xi32>
    %squeeze3A_323 = vector.shape_cast %slice3A_322 : vector<1x256xi32> to vector<256xi32>
    %reshape3A_324 = vector.shape_cast %squeeze3A_323 : vector<256xi32> to vector<256x1xi32>
    %eq3A_325 = arith.constant -1 : i32
    %eq3A_326 = vector.broadcast %eq3A_325 : i32 to vector<256x1xi32>
    %eq3A_327 = arith.cmpi eq, %reshape3A_324, %eq3A_326 : vector<256x1xi32>
    %select_n3A_328 = arith.select %eq3A_327, %add3A_25, %reshape3A_324 : vector<256x1xi1>, vector<256x1xi32>
    %eq3A_329 = vector.broadcast %select_n3A_328 : vector<256x1xi32> to vector<256x1024xi32>
    %eq3A_330 = arith.cmpi eq, %eq3A_329, %iota3A : vector<256x1024xi32>
    %jit3A_331 = arith.constant 0.00947679765 : f32
    %broadcast_in_dim3A_332 = vector.broadcast %jit3A_331 : f32 to vector<256x1024xf32>
    %select_n3A_333 = arith.select %eq3A_330, %broadcast_in_dim3A_332, %select_n3A_321 : vector<256x1024xi1>, vector<256x1024xf32>
    %slice3A_334 = vector.extract_strided_slice %get3A_13 {offsets = [26, 0], sizes = [1, 256], strides = [1, 1]} : vector<32x256xi32> to vector<1x256xi32>
    %squeeze3A_335 = vector.shape_cast %slice3A_334 : vector<1x256xi32> to vector<256xi32>
    %reshape3A_336 = vector.shape_cast %squeeze3A_335 : vector<256xi32> to vector<256x1xi32>
    %eq3A_337 = arith.constant -1 : i32
    %eq3A_338 = vector.broadcast %eq3A_337 : i32 to vector<256x1xi32>
    %eq3A_339 = arith.cmpi eq, %reshape3A_336, %eq3A_338 : vector<256x1xi32>
    %select_n3A_340 = arith.select %eq3A_339, %add3A_25, %reshape3A_336 : vector<256x1xi1>, vector<256x1xi32>
    %eq3A_341 = vector.broadcast %select_n3A_340 : vector<256x1xi32> to vector<256x1024xi32>
    %eq3A_342 = arith.cmpi eq, %eq3A_341, %iota3A : vector<256x1024xi32>
    %jit3A_343 = arith.constant 0.00912580546 : f32
    %broadcast_in_dim3A_344 = vector.broadcast %jit3A_343 : f32 to vector<256x1024xf32>
    %select_n3A_345 = arith.select %eq3A_342, %broadcast_in_dim3A_344, %select_n3A_333 : vector<256x1024xi1>, vector<256x1024xf32>
    %slice3A_346 = vector.extract_strided_slice %get3A_13 {offsets = [27, 0], sizes = [1, 256], strides = [1, 1]} : vector<32x256xi32> to vector<1x256xi32>
    %squeeze3A_347 = vector.shape_cast %slice3A_346 : vector<1x256xi32> to vector<256xi32>
    %reshape3A_348 = vector.shape_cast %squeeze3A_347 : vector<256xi32> to vector<256x1xi32>
    %eq3A_349 = arith.constant -1 : i32
    %eq3A_350 = vector.broadcast %eq3A_349 : i32 to vector<256x1xi32>
    %eq3A_351 = arith.cmpi eq, %reshape3A_348, %eq3A_350 : vector<256x1xi32>
    %select_n3A_352 = arith.select %eq3A_351, %add3A_25, %reshape3A_348 : vector<256x1xi1>, vector<256x1xi32>
    %eq3A_353 = vector.broadcast %select_n3A_352 : vector<256x1xi32> to vector<256x1024xi32>
    %eq3A_354 = arith.cmpi eq, %eq3A_353, %iota3A : vector<256x1024xi32>
    %jit3A_355 = arith.constant 0.00879988354 : f32
    %broadcast_in_dim3A_356 = vector.broadcast %jit3A_355 : f32 to vector<256x1024xf32>
    %select_n3A_357 = arith.select %eq3A_354, %broadcast_in_dim3A_356, %select_n3A_345 : vector<256x1024xi1>, vector<256x1024xf32>
    %slice3A_358 = vector.extract_strided_slice %get3A_13 {offsets = [28, 0], sizes = [1, 256], strides = [1, 1]} : vector<32x256xi32> to vector<1x256xi32>
    %squeeze3A_359 = vector.shape_cast %slice3A_358 : vector<1x256xi32> to vector<256xi32>
    %reshape3A_360 = vector.shape_cast %squeeze3A_359 : vector<256xi32> to vector<256x1xi32>
    %eq3A_361 = arith.constant -1 : i32
    %eq3A_362 = vector.broadcast %eq3A_361 : i32 to vector<256x1xi32>
    %eq3A_363 = arith.cmpi eq, %reshape3A_360, %eq3A_362 : vector<256x1xi32>
    %select_n3A_364 = arith.select %eq3A_363, %add3A_25, %reshape3A_360 : vector<256x1xi1>, vector<256x1xi32>
    %eq3A_365 = vector.broadcast %select_n3A_364 : vector<256x1xi32> to vector<256x1024xi32>
    %eq3A_366 = arith.cmpi eq, %eq3A_365, %iota3A : vector<256x1024xi32>
    %jit3A_367 = arith.constant 0.00849643908 : f32
    %broadcast_in_dim3A_368 = vector.broadcast %jit3A_367 : f32 to vector<256x1024xf32>
    %select_n3A_369 = arith.select %eq3A_366, %broadcast_in_dim3A_368, %select_n3A_357 : vector<256x1024xi1>, vector<256x1024xf32>
    %slice3A_370 = vector.extract_strided_slice %get3A_13 {offsets = [29, 0], sizes = [1, 256], strides = [1, 1]} : vector<32x256xi32> to vector<1x256xi32>
    %squeeze3A_371 = vector.shape_cast %slice3A_370 : vector<1x256xi32> to vector<256xi32>
    %reshape3A_372 = vector.shape_cast %squeeze3A_371 : vector<256xi32> to vector<256x1xi32>
    %eq3A_373 = arith.constant -1 : i32
    %eq3A_374 = vector.broadcast %eq3A_373 : i32 to vector<256x1xi32>
    %eq3A_375 = arith.cmpi eq, %reshape3A_372, %eq3A_374 : vector<256x1xi32>
    %select_n3A_376 = arith.select %eq3A_375, %add3A_25, %reshape3A_372 : vector<256x1xi1>, vector<256x1xi32>
    %eq3A_377 = vector.broadcast %select_n3A_376 : vector<256x1xi32> to vector<256x1024xi32>
    %eq3A_378 = arith.cmpi eq, %eq3A_377, %iota3A : vector<256x1024xi32>
    %jit3A_379 = arith.constant 0.00821322482 : f32
    %broadcast_in_dim3A_380 = vector.broadcast %jit3A_379 : f32 to vector<256x1024xf32>
    %select_n3A_381 = arith.select %eq3A_378, %broadcast_in_dim3A_380, %select_n3A_369 : vector<256x1024xi1>, vector<256x1024xf32>
    %slice3A_382 = vector.extract_strided_slice %get3A_13 {offsets = [30, 0], sizes = [1, 256], strides = [1, 1]} : vector<32x256xi32> to vector<1x256xi32>
    %squeeze3A_383 = vector.shape_cast %slice3A_382 : vector<1x256xi32> to vector<256xi32>
    %reshape3A_384 = vector.shape_cast %squeeze3A_383 : vector<256xi32> to vector<256x1xi32>
    %eq3A_385 = arith.constant -1 : i32
    %eq3A_386 = vector.broadcast %eq3A_385 : i32 to vector<256x1xi32>
    %eq3A_387 = arith.cmpi eq, %reshape3A_384, %eq3A_386 : vector<256x1xi32>
    %select_n3A_388 = arith.select %eq3A_387, %add3A_25, %reshape3A_384 : vector<256x1xi1>, vector<256x1xi32>
    %eq3A_389 = vector.broadcast %select_n3A_388 : vector<256x1xi32> to vector<256x1024xi32>
    %eq3A_390 = arith.cmpi eq, %eq3A_389, %iota3A : vector<256x1024xi32>
    %jit3A_391 = arith.constant 0.00794828217 : f32
    %broadcast_in_dim3A_392 = vector.broadcast %jit3A_391 : f32 to vector<256x1024xf32>
    %select_n3A_393 = arith.select %eq3A_390, %broadcast_in_dim3A_392, %select_n3A_381 : vector<256x1024xi1>, vector<256x1024xf32>
    %slice3A_394 = vector.extract_strided_slice %get3A_13 {offsets = [31, 0], sizes = [1, 256], strides = [1, 1]} : vector<32x256xi32> to vector<1x256xi32>
    %squeeze3A_395 = vector.shape_cast %slice3A_394 : vector<1x256xi32> to vector<256xi32>
    %reshape3A_396 = vector.shape_cast %squeeze3A_395 : vector<256xi32> to vector<256x1xi32>
    %eq3A_397 = arith.constant -1 : i32
    %eq3A_398 = vector.broadcast %eq3A_397 : i32 to vector<256x1xi32>
    %eq3A_399 = arith.cmpi eq, %reshape3A_396, %eq3A_398 : vector<256x1xi32>
    %select_n3A_400 = arith.select %eq3A_399, %add3A_25, %reshape3A_396 : vector<256x1xi1>, vector<256x1xi32>
    %eq3A_401 = vector.broadcast %select_n3A_400 : vector<256x1xi32> to vector<256x1024xi32>
    %eq3A_402 = arith.cmpi eq, %eq3A_401, %iota3A : vector<256x1024xi32>
    %jit3A_403 = arith.constant 0.00769989844 : f32
    %broadcast_in_dim3A_404 = vector.broadcast %jit3A_403 : f32 to vector<256x1024xf32>
    %select_n3A_405 = arith.select %eq3A_402, %broadcast_in_dim3A_404, %select_n3A_393 : vector<256x1024xi1>, vector<256x1024xf32>
    %mul3A_406 = arith.mulf %div3A_21, %select_n3A_405 : vector<256x1024xf32>
    %get3A_407 = arith.constant 0 : index
    %get3A_408 = arith.constant 0 : index
    %get3A_409 = arith.constant 0 : index
    %get3A_410 = vector.load %arg4[%get3A_407, %get3A_408, %get3A_409] : memref<1x1024x128xf32, #tpu.memory_space<vmem>>, vector<1x1024x128xf32>
    %get3A_411 = vector.shape_cast %get3A_410 : vector<1x1024x128xf32> to vector<1024x128xf32>
    %dot_general3A_412 = arith.constant dense<0.000000e+00> : vector<256x128xf32>
    %dot_general3A_413 = tpu.matmul %mul3A_406, %get3A_411, %dot_general3A_412 {dimension_numbers = #tpu.dot_dimension_numbers<[1], [0], [0], [1], [0, 0, 1, 1], [], []>, transpose_lhs_hint = false} : vector<256x1024xf32>, vector<1024x128xf32>, vector<256x128xf32> -> vector<256x128xf32>
    %swap3A = arith.constant 0 : index
    %swap3A_414 = arith.constant 0 : index
    %swap3A_415 = arith.constant 0 : index
    %swap3A_416 = vector.load %arg6[%swap3A, %swap3A_414, %swap3A_415] : memref<1x256x128xf32, #tpu.memory_space<vmem>>, vector<1x256x128xf32>
    %swap3A_417 = vector.shape_cast %swap3A_416 : vector<1x256x128xf32> to vector<256x128xf32>
    %swap3A_418 = vector.shape_cast %dot_general3A_413 : vector<256x128xf32> to vector<1x256x128xf32>
    tpu.vector_store %arg6[%swap3A, %swap3A_414, %swap3A_415], %swap3A_418 {strides = array<i32>} : memref<1x256x128xf32, #tpu.memory_space<vmem>>, vector<1x256x128xf32>,
    return
  }
  func.func @transform_0(%arg0: i32, %arg1: i32) -> (i32, i32, i32) {
    %c0_i32 = arith.constant 0 : i32
    %c0_i32_0 = arith.constant 0 : i32
    return %arg0, %arg1, %c0_i32 : i32, i32, i32
  }
  func.func @transform_1(%arg0: i32, %arg1: i32) -> (i32, i32, i32) {
    %c0_i32 = arith.constant 0 : i32
    %c0_i32_0 = arith.constant 0 : i32
    %c0_i32_1 = arith.constant 0 : i32
    return %arg0, %c0_i32, %c0_i32_0 : i32, i32, i32
  }
  func.func @transform_2(%arg0: i32, %arg1: i32) -> (i32, i32, i32) {
    %c0_i32 = arith.constant 0 : i32
    %c0_i32_0 = arith.constant 0 : i32
    %c0_i32_1 = arith.constant 0 : i32
    return %arg0, %c0_i32, %c0_i32_0 : i32, i32, i32
  }
  func.func @transform_3(%arg0: i32, %arg1: i32) -> (i32, i32, i32) {
    %c0_i32 = arith.constant 0 : i32
    %c0_i32_0 = arith.constant 0 : i32
    return %arg0, %c0_i32, %arg1 : i32, i32, i32
  }
  func.func @transform_4(%arg0: i32, %arg1: i32) -> (i32, i32, i32) {
    %c0_i32 = arith.constant 0 : i32
    %c0_i32_0 = arith.constant 0 : i32
    return %arg0, %arg1, %c0_i32 : i32, i32, i32
  }
}

module attributes {stable_mosaic.version = 14 : i64} {
  func.func @_stage_c(%arg0: i32, %arg1: memref<1x1024x128xf32, #tpu.memory_space<vmem>>, %arg2: memref<1x1024xf32, #tpu.memory_space<vmem>>, %arg3: memref<1x1xf32, #tpu.memory_space<vmem>>, %arg4: memref<1x1x128xf32, #tpu.memory_space<vmem>>) attributes {dimension_semantics = [#tpu.dimension_semantics<arbitrary>], iteration_bounds = array<i64: 16>, scalar_prefetch = 0 : i64, scratch_operands = 0 : i64, tpu.core_type = #tpu.core_type<tc>, window_params = [{transform_indices = @transform_0, window_bounds = array<i64: 1, 1024, 128>}, {pipeline_mode = #tpu.pipeline_mode<synchronous>, transform_indices = @transform_1, window_bounds = array<i64: 1, 1024>}, {pipeline_mode = #tpu.pipeline_mode<synchronous>, transform_indices = @transform_2, window_bounds = array<i64: 1, 1>}, {transform_indices = @transform_3, window_bounds = array<i64: 1, 1, 128>}]} {
    %get3A = arith.constant 0 : index
    %get3A_0 = arith.constant 0 : index
    %get3A_1 = arith.constant 0 : index
    %get3A_2 = vector.load %arg1[%get3A, %get3A_0, %get3A_1] : memref<1x1024x128xf32, #tpu.memory_space<vmem>>, vector<1x1024x128xf32>
    %get3A_3 = vector.shape_cast %get3A_2 : vector<1x1024x128xf32> to vector<1024x128xf32>
    %get3A_4 = arith.constant 0 : index
    %get3A_5 = arith.constant 0 : index
    %get3A_6 = vector.load %arg2[%get3A_4, %get3A_5] : memref<1x1024xf32, #tpu.memory_space<vmem>>, vector<1x1024xf32>
    %dot_general3A = arith.constant dense<0.000000e+00> : vector<1x128xf32>
    %dot_general3A_7 = tpu.matmul %get3A_6, %get3A_3, %dot_general3A {dimension_numbers = #tpu.dot_dimension_numbers<[1], [0], [0], [1], [0, 0, 1, 1], [], []>, transpose_lhs_hint = false} : vector<1x1024xf32>, vector<1024x128xf32>, vector<1x128xf32> -> vector<1x128xf32>
    %get3A_8 = arith.constant 0 : index
    %get3A_9 = arith.constant 0 : index
    %get3A_10 = vector.load %arg3[%get3A_8, %get3A_9] : memref<1x1xf32, #tpu.memory_space<vmem>>, vector<1x1xf32>
    %add3A = vector.broadcast %get3A_10 : vector<1x1xf32> to vector<1x128xf32>
    %add3A_11 = arith.addf %dot_general3A_7, %add3A : vector<1x128xf32>
    %reduce_max3A = arith.constant dense<0xFF800000> : vector<128xf32>
    %reduce_max3A_12 = vector.multi_reduction <maximumf>, %add3A_11, %reduce_max3A [0] : vector<1x128xf32> to vector<128xf32>
    %broadcast_in_dim3A = vector.shape_cast %reduce_max3A_12 : vector<128xf32> to vector<1x128xf32>
    %sub3A = arith.subf %add3A_11, %broadcast_in_dim3A : vector<1x128xf32>
    %exp3A = math.exp %sub3A : vector<1x128xf32>
    %reduce_sum3A = arith.constant dense<0.000000e+00> : vector<128xf32>
    %reduce_sum3A_13 = vector.multi_reduction <add>, %exp3A, %reduce_sum3A [0] : vector<1x128xf32> to vector<128xf32>
    %broadcast_in_dim3A_14 = vector.shape_cast %reduce_sum3A_13 : vector<128xf32> to vector<1x128xf32>
    %div3A = arith.divf %exp3A, %broadcast_in_dim3A_14 : vector<1x128xf32>
    %swap3A = arith.constant 0 : index
    %swap3A_15 = arith.constant 0 : index
    %swap3A_16 = arith.constant 0 : index
    %swap3A_17 = vector.load %arg4[%swap3A, %swap3A_15, %swap3A_16] : memref<1x1x128xf32, #tpu.memory_space<vmem>>, vector<1x1x128xf32>
    %swap3A_18 = vector.shape_cast %swap3A_17 : vector<1x1x128xf32> to vector<1x128xf32>
    %swap3A_19 = vector.shape_cast %div3A : vector<1x128xf32> to vector<1x1x128xf32>
    tpu.vector_store %arg4[%swap3A, %swap3A_15, %swap3A_16], %swap3A_19 {strides = array<i32>} : memref<1x1x128xf32, #tpu.memory_space<vmem>>, vector<1x1x128xf32>,
    return
  }
  func.func @transform_0(%arg0: i32) -> (i32, i32, i32) {
    %c0_i32 = arith.constant 0 : i32
    %c0_i32_0 = arith.constant 0 : i32
    %c0_i32_1 = arith.constant 0 : i32
    return %arg0, %c0_i32, %c0_i32_0 : i32, i32, i32
  }
  func.func @transform_1(%arg0: i32) -> (i32, i32) {
    %c0_i32 = arith.constant 0 : i32
    %c0_i32_0 = arith.constant 0 : i32
    %c0_i32_1 = arith.constant 0 : i32
    return %c0_i32, %c0_i32_0 : i32, i32
  }
  func.func @transform_2(%arg0: i32) -> (i32, i32) {
    %c0_i32 = arith.constant 0 : i32
    %c0_i32_0 = arith.constant 0 : i32
    %c0_i32_1 = arith.constant 0 : i32
    return %c0_i32, %c0_i32_0 : i32, i32
  }
  func.func @transform_3(%arg0: i32) -> (i32, i32, i32) {
    %c0_i32 = arith.constant 0 : i32
    %c0_i32_0 = arith.constant 0 : i32
    %c0_i32_1 = arith.constant 0 : i32
    return %arg0, %c0_i32, %c0_i32_0 : i32, i32, i32
  }
}

</mosaic_0001>

<sc_bundles>
// kernel: sparse-core-data-format-call.cloned.1.call-start
scs
called_computation_lowered:
.L_overlay_start_0:
0x0: {  	s1 =	sld [smem:$0x3FD9]  }
0x1: {  	s2 =	sld [smem:$0x3FFE];
	_ =	sdelay $0x1  }
0x2: {  	s3 =	srdreg.scid  }
0x3: {  	s0 =	sand.u32 $0x1, s3  }
0x4: {  	s17 =	sshll.u32 s0, $0xA;
	s1 =	sadd.s32 s2, s1  }
0x5: {  	s1 =	sadd.s32 s1, s17  }
0x6: {  	[smem:$0x3FBC] =	sst s1  }
0x7: {  	_ = 	snop  }
0x8: {  	(tm) =	ssettm $0x1  }
0x9: {  	s18 =	sld [smem:$0x3FFB];
	_ =	sdelay $0x3  }
0xa: {  	_ =	strace s18  }
0xb: {  	s1 =	sld [smem:$0x3FFC];
	_ =	sdelay $0x3  }
0xc: {  	_ =	strace s1  }
0xd: {  	s1 =	sld [smem:$0x3FFD];
	_ =	sdelay $0x3  }
0xe: {  	_ =	strace s1  }
0xf: {  	_ =	strace $0x8FFFFFFF  }
0x10: {  	s19 =	sld [smem:$0x3FDB];
	_ =	sdelay $0x1  }
0x11: {  	s20 =	simm.s32 $_scs_section_size  }
0x12: {  	s4 =	simm.s32 $_size__tile_overlayer_lowered;
	s5 =	simm.s32 $_tile_overlayer_lowered  }
0x13: {  	s23 =	simm.s32 $0x1BFF;
	s22 =	sshll.u32 s5, $0x1;
	s1 =	sadd.s32 s20, s19  }
0x14: {  	s6 =	simm.s32 $0x0;
	s21 =	sshll.u32 s4, $0x1;
	s4 =	sadd.s32 s22, s1  }
0x15: {  	[timem:s6], [sflag:s23] =	dma.local [hbm:s4], s21  }
0x16: {  	_ =	swait.ge [sflag:s23], s21  }
0x17: {  	s2 =	ssub.s32 $0x0, s21;
	[sflag:s23] =	ssyncset.done $0x0  }
0x18: {  	[sflag:s23] =	ssyncadd.s32 s2;
	_ =	sdelay $0x1  }
0x19: {  	s24 =	simm.s32 $0x1B8B  }
0x1a: {  	_ =	swait.ge [sflag:s24], $0x1  }
0x1b: {  	[sflag:s24] =	ssyncset.done $0x0  }
0x1c: {  	s26 =	simm.s32 $0x1B8E;
	s25 =	sld [smem:$0x3FFE];
	[sflag:s24] =	ssyncadd.s32 $0xFFFFFFFF  }
0x1d: {  	s27 =	simm.s32 $execute0_lowered;
	[smem:$0x3FD2] =	sst s26  }
0x1e: {  	s4 =	sshll.u32 s27, $0x1;
	_ =	strace $0x80000046;
	[dreg:$0x1] =	wrdreg $0xFFFFFFFF  }
0x1f: {  	s28 =	simm.s32 $_size_execute0_lowered;
	s1 =	sadd.s32 s1, s4;
	[dreg:$0x0] =	wrdreg $0x0  }
0x20: {  	s4 =	sshll.u32 s28, $0x1;
	[dreg:$0x2] =	wrdreg s1  }
0x21: {  	[dreg:$0x3] =	wrdreg s4  }
0x22: {  	[dreg:$0x4] =	wrdreg $0xC0  }
0x23: {  	_ =	task [dreg:s6], $0x5FFFF  }
0x24: {  	[dreg:$0x1] =	wrdreg $0xFFFFFFFF  }
0x25: {  	[dreg:$0x0] =	wrdreg $0x60  }
0x26: {  	[dreg:$0x2] =	wrdreg s25  }
0x27: {  	[dreg:$0x3] =	wrdreg $0x9  }
0x28: {  	_ =	task.clear_ibuf [dreg:s6], $0x4FFFF;
	_ =	strace $0x90000046  }
0x29: {  	s29 =	simm.s32 $0x9;
	_ =	strace $0x80000048  }
0x2a: {  	_ =	swait.ge [sflag:s29], $0x1  }
0x2b: {  	[sflag:s29] =	ssyncadd.s32 $0xFFFFFFFF  }
0x2c: {  	_ =	strace $0x90000048  }
0x2d: {  	_ =	sfence  }
0x2e: {  	s30 =	sld [smem:$0x0];
	_ =	sdelay $0x2  }
0x2f: {  	s31 =	sshll.u32 s3, $0xD;
	s3 =	sshrl.u32 s3, $0x2  }
0x30: {  	s2 =	sand.u32 $0x4000, s31;
	s1 =	sadd.s32 s3, s30  }
0x31: {  	s0 =	sor.u32 s2, s0;
	s1 =	sshll.u32 s1, $0x11  }
0x32: {  	s0 =	sor.u32 s1, s0  }
0x33: {  	s0 =	sadd.s32 $0x8F2B, s0  }
0x34: {  	[sflag:s0] =	ssyncadd.remote.s32 $0x1  }
0x35: {  	_ =	sfence.sel $0xFFFF  }
0x36: {  	[dreg:$0x0] =	wrdreg $0xFFFFFFFF;
	(pc) =	sbr.abs _section_cstart, $3  }
0x37: {  	[dreg:$0x1] =	wrdreg $0xFFFFFFFF  }
0x38: {  	_ =	task.clear_ibuf [dreg:s6], $0x2FFFF;
	_ =	strace $0x9FFFFFFF  }
0x39: {  	(tm) =	ssettm $0x7FFFFFFF  }
tec
execute0_lowered:
.L_overlay_start_1:
0x0: {  	(tag) =	ssettag $0x1  }
0x1: {  	s1 =	rddreg [dreg:$0x0]  }
0x2: {  	s2 =	srdreg.scid;
	s0 =	rddreg [dreg:$0x1]  }
0x3: {  	_ =	strace $0x80000047;
	s5 =	simm.s32 $0x1;
	s9 =	simm.s32 $0x2  }
0x4: {  	s16 =	simm.s32 $0x0;
	p0 =	por $0x0, $0x0;
	s15 =	simm.s32 $0x0  }
0x5: {  	s17 =	simm.s32 $0x0;
	s19 =	simm.s32 $0x0;
	s18 =	simm.s32 $0x0  }
0x6: {  	s10 =	simm.s32 $0x0;
	s11 =	simm.s32 $0x0;
	s12 =	simm.s32 $0x0  }
0x7: {  	s14 =	stileid.u32;
	s2 =	sand.u32 $0x1, s2;
	s3 =	sadd.s32 $0x2200, s1  }
.Ltmp0:
0x8: {  	s4 =	sadd.s32 $0x1002200, s1;
	s6 =	ssub.s32 $0x20, s2;
	(pc) =	sbr.rel .LBB1_1-.Ltmp0, $4  }
0x9: {  	s1 =	stileid.u32;
	[sflag:s5] =	ssyncpa.u1 $0x0;
	s7 =	sshrl.u32 s6, $0x1  }
0xa: {  	[sflag:s9] =	ssyncpa.u1 $0x0;
	s13 =	smov.u32 s2;
	s8 =	sadd.s32 s2, s7  }
0xb: {  	s9 =	simm.s32 $0x0;
	s6 =	ssub.s32 s6, s7;
	s31 =	sshll.u32 s8, $0x3  }
0xc: {  	s6 =	sshll.u32 s6, $0x3;
	s8 =	simm.s32 $0x8000;
	s7 =	ssub.s32 $0x102, s31  }
.LBB1_7:
0xd: {  	s20 =	sadd.s32 $0x1, s10  }
0xe: {  	s15 =	sadd.s32 $0x20, s11;
	s21 =	smov.u32 s11;
	p2 =	sgt.s32 s20, $0x7  }
0xf: {  	s21 =	smov.u32 @p2 s15  }
0x10: {  	s22 =	smov.u32 s12;
	s15 =	sadd.s32 $0x8, s12;
	p3 =	sgt.s32 s21, $0x1F  }
0x11: {  	s22 =	smov.u32 @p3 s15  }
0x12: {  	s23 =	smov.u32 s13;
	s15 =	sadd.s32 $0x2, s13;
	p4 =	sgt.s32 s22, $0x7  }
0x13: {  	p1 =	slt.u32 s9, $0x2;
	s24 =	smov.u32 s14;
	s23 =	smov.u32 @p4 s15  }
0x14: {  	s9 =	sadd.s32 $0x1, s9;
	s15 =	sadd.s32 $0x10, s14;
	p5 =	sgt.s32 s23, $0x1F  }
0x15: {  	s16 =	smov.u32 s10;
	s17 =	smov.u32 s12;
	s24 =	smov.u32 @p5 s15  }
0x16: {  	s19 =	smov.u32 s13;
	s20 =	simm.s32 @p2 $0x0;
	p2 =	sgt.s32 s24, $0xF  }
0x17: {  	s25 =	simm.s32 @!p1 $0x2;
	s24 =	smov.u32 @p2 s1;
	p2 =	sne.s32 s9, s7  }
.Ltmp1:
0x18: {  	s18 =	smov.u32 s14;
	_ =	swait.ge @!p1 [sflag:s25], $0x4000;
	(pc) =	sbr.rel @!p2 .LBB1_8-.Ltmp1, $4  }
0x19: {  	p0 =	por !p0, !p0;
	[sflag:s25] =	ssyncset.done @!p1 $0x0;
	s10 =	smov.u32 s20  }
0x1a: {  	s21 =	simm.s32 @p3 $0x0;
	[sflag:s25] =	ssyncadd.s32 @!p1 $0xFFFFC000;
	s22 =	simm.s32 @p4 $0x0  }
0x1b: {  	s12 =	smov.u32 s22;
	s23 =	smov.u32 @p5 s2;
	s15 =	smov.u32 s11  }
0x1c: {  	s11 =	smov.u32 s21;
	s13 =	smov.u32 s23;
	s14 =	smov.u32 s24  }
.LBB1_1:
0x1d: {  	p1 =	sge.u32 s9, s6  }
0x1e: {  	s31 =	sadd.s32 $0xFFFFFFFF, s9;
	s20 =	sshll.u32 @!p1 s14, $0x14  }
0x1f: {  	s21 =	sxor.u32 @!p1 $0xFFFFFFFF, s9;
	s22 =	sshll.u32 @!p1 s13, $0xF;
	s20 =	sadd.s32 @!p1 s3, s20  }
0x20: {  	s23 =	sshll.u32 @!p1 s12, $0xC;
	s24 =	sshll.u32 @!p1 s10, $0x4;
	s20 =	sadd.s32 @!p1 s22, s20  }
0x21: {  	s21 =	sshll.u32 @!p1 s21, $0xE;
	s22 =	sshll.u32 @!p1 s11, $0x7;
	s20 =	sadd.s32 @!p1 s23, s20  }
0x22: {  	s21 =	sand.u32 @!p1 $0x4000, s21;
	s23 =	sand.u32 @!p1 $0x70, s24;
	s20 =	sadd.s32 @!p1 s22, s20  }
0x23: {  	s22 =	simm.s32 @!p1 $0x40;
	s20 =	sadd.s32 @!p1 s23, s20;
	s23 =	simm.s32 @!p1 $0x400  }
0x24: {  	[tilespmem:s21], [sflag:$0x1] =	stream.strided.gather @!p1 [hbm4b:s20+s22], $0x4000, s23, s22, $0x38;
	[tilespmem:$0x10400] =	vst v63  }
0x25: {  	p1 =	sge.u32 s31, s6  }
.Ltmp2:
0x26: {  	_ = 	snop;
	(pc) =	sbr.rel @p1 .LBB1_7-.Ltmp2, $1  }
0x27: {  	_ =	sdelay $0x3  }
0x28: {  	s20 =	simm.s32 $0x1;
	s22 =	sand.u32 $0x1, s9  }
0x29: {  	_ =	swait.ge [sflag:s5], $0x4000;
	s20 =	simm.s32 @!p0 $0x0;
	s23 =	smul.u32 $0x10800, s22  }
0x2a: {  	[sflag:s5] =	ssyncset.done $0x0;
	s21 =	smul.u32 $0x10800, s20  }
0x2b: {  	s20 =	sshll.u32 s20, $0xE;
	[sflag:s5] =	ssyncadd.s32 $0xFFFFC000  }
0x2c: {  	s22 =	sor.u32 $0x20, s20;
	s31 =	sshrl.u32 s23, $0x2;
	s21 =	sshrl.u32 s21, $0x2  }
0x2d: {  	s23 =	simm.s32 $0x0;
	s20 =	sor.u32 $0x8000, s31;
	s21 =	sor.u32 $0x8000, s21  }
.LBB1_3:
0x2e: {  	v3 =	vld [tilespmem:s22+$0x10]  }
0x2f: {  	v2 =	vld [tilespmem:s22+$0xFFFFFFF0]  }
0x30: {  	v0 =	vld [tilespmem:s22+$0x0]  }
0x31: {  	v1 =	vld [tilespmem:s22+$0xFFFFFFE0]  }
0x32: {  	s24 =	sadd.s32 $0x0, s21  }
0x33: {  	s25 =	simm.s32 $0x4;
	s26 =	sadd.s32 $0x40, s22;
	[tilespmem:s24+$0x3180 ss:$0x108] =	vst.msk $0xffff, v3  }
.LBB1_4:
0x34: {  	v3 =	vld [tilespmem:s26+$0x10];
	p1 =	sne.s32 s25, $0x7C;
	[tilespmem:s24+$0x1080 ss:$0x108] =	vst.msk $0xffff, v2;
	s27 =	smov.u32 s25;
	s25 =	sadd.s32 $0x4, s25  }
.Ltmp3:
0x35: {  	v2 =	vld [tilespmem:s26+$0xFFFFFFF0];
	[tilespmem:s24+$0x2100 ss:$0x108] =	vst.msk $0xffff, v0;
	(pc) =	sbr.rel @p1 .LBB1_4-.Ltmp3, $4  }
0x36: {  	v0 =	vld [tilespmem:s26+$0x0];
	[tilespmem:s24+$0x0 ss:$0x108] =	vst.msk $0xffff, v1  }
0x37: {  	s24 =	sshra.s32 s27, $0x2;
	v1 =	vld [tilespmem:s26+$0xFFFFFFE0]  }
0x38: {  	s24 =	sadd.s32 s24, s21  }
0x39: {  	s26 =	sadd.s32 $0x40, s26;
	[tilespmem:s24+$0x3180 ss:$0x108] =	vst.msk $0xffff, v3  }
0x3a: {  	s23 =	sadd.s32 $0x1, s23  }
0x3b: {  	p1 =	sne.s32 s23, $0x8  }
.Ltmp4:
0x3c: {  	_ = 	snop;
	(pc) =	sbr.rel @p1 .LBB1_3-.Ltmp4, $4  }
0x3d: {  	_ = 	snop  }
0x3e: {  	[tilespmem:s24+$0x1080 ss:$0x108] =	vst.msk $0xffff, v2  }
0x3f: {  	[tilespmem:s24+$0x2100 ss:$0x108] =	vst.msk $0xffff, v0  }
0x40: {  	s21 =	sadd.s32 $0x21, s21;
	s22 =	sadd.s32 $0x800, s22;
	[tilespmem:s24+$0x0 ss:$0x108] =	vst.msk $0xffff, v1  }
0x41: {  	s19 =	sshll.u32 s19, $0x7;
	s21 =	sshll.u32 s15, $0x3;
	s18 =	sshll.u32 s18, $0x15  }
0x42: {  	s17 =	sshll.u32 s17, $0xC;
	s16 =	sshll.u32 s16, $0x9;
	s28 =	sshrl.u32 s15, $0x3  }
0x43: {  	s30 =	sand.u32 $0x7, s15;
	s22 =	sand.u32 $0xC00, s19;
	s21 =	sand.u32 $0xC00, s21  }
0x44: {  	s19 =	sand.u32 $0x380, s19;
	s18 =	sadd.s32 s4, s18;
	s21 =	sadd.s32 s22, s21  }
.Ltmp5:
0x45: {  	s17 =	sadd.s32 s17, s18;
	s19 =	sor.u32 s19, s21;
	(pc) =	sbr.rel .LBB1_7-.Ltmp5, $4  }
0x46: {  	s29 =	sand.u32 $0xF, s28;
	s16 =	sadd.s32 s16, s17;
	s19 =	sshrl.u32 s19, $0x3  }
0x47: {  	s15 =	sshll.u32 s30, $0x12;
	s16 =	sadd.s32 s29, s16;
	s31 =	sand.u32 $0x1F0, s19  }
0x48: {  	s15 =	sor.u32 $0x20, s15;
	s16 =	sadd.s32 s31, s16  }
0x49: {  	[hbm4b:s16+s15] =	stream.strided.scatter [tilespmem:s20], [sflag:$0x2], $0x4000, s8, s15, $0x10;
	[tilespmem:$0x10400] =	vst v63  }
.LBB1_8:
0x4a: {  	_ =	sfence.sel $0x180000  }
0x4b: {  	s2 =	simm.s32 $0x1;
	[bflag:$0x0] =	sbarrier.arrive $0xFFFF  }
0x4c: {  	s31 =	simm.s32 $0x2;
	[sflag:s2] =	ssyncpa.u1 $0x1  }
0x4d: {  	[sflag:s31] =	ssyncpa.u1 $0x1  }
0x4e: {  	p0 =	sne.s32 s1, $0x0;
	_ =	strace $0x90000047  }
0x4f: {  	s0 =	sadd.s32 @!p0 $0x100000, s0;
	[bflag:$0x2] =	sbarrier.arrive $0xFFFF  }
0x50: {  	[sflag:s0] =	ssyncadd.tile.s32 @!p0 $0x1;
	_ =	shalt  }
.Lfunc_end1:
_tile_overlayer_lowered:
.L_overlay_start_2:
0x51: {  	(tag) =	ssettag $0x2  }
0x52: {  	s0 =	rddreg [dreg:$0x0];
	s2 =	stileid.u32  }
0x53: {  	s1 =	rddreg [dreg:$0x1];
	p0 =	sne.s32 s2, $0x0  }
0x54: {  	s3 =	rddreg [dreg:$0x2];
	[bflag:$0x3] =	sbarrier.arrive $0xFFFF;
	s2 =	simm.s32 @!p0 $0x1C01  }
0x55: {  	[timem:s3], [sflag:s2] =	dma.local @!p0 [hbm:s0], s1  }
0x56: {  	s0 =	simm.s32 @!p0 $0x1  }
0x57: {  	_ =	swait.ge @!p0 [sflag:s0], s1  }
0x58: {  	s1 =	ssub.s32 @!p0 $0x0, s1;
	[sflag:s0] =	ssyncset.done @!p0 $0x0  }
0x59: {  	[sflag:s0] =	ssyncadd.s32 @!p0 s1  }
0x5a: {  	[bflag:$0x3] =	sbarrier.arrive $0xFFFF  }
0x5b: {  	_ =	shalt  }

</sc_bundles>
